<compile_context>
chip_gen: v7x
topology: tpu7x:2x2x1
jax: 0.10.2.dev20260603
libtpu: 0.0.44.dev20260713+nightly
codegen_flags: <defaults>
</compile_context>

<pallas_src>
import functools
import jax
import jax.numpy as jnp
import numpy as np
from jax import lax
from jax.experimental import pallas as pl
from jax.experimental.pallas import tpu as pltpu
from jax.experimental.pallas import tpu_sc as plsc

DIM = 128
BASIS = 64
INNER = DIM + BASIS
HID = 64
N = 2048
K = 16
NB = 2
TW = 256
RB = 256
RE = 256
BIG = 3.4e38

SC_NC = 2
SC_NS = 16
SC_NW = SC_NC * SC_NS
EDGES = NB * N * K
E_PER_W = EDGES // SC_NW
CHUNK = 256
NCHUNK = E_PER_W // CHUNK


def _silu(t):
    return t * (1.0 / (1.0 + jnp.exp(-t)))


def _knn_prep_body(coord_ref, coordT_ref, h_ref, nbr_ref, tab_ref):
    b = pl.program_id(0)
    r = pl.program_id(1)
    cb = coord_ref[0]
    cT = coordT_ref[0]
    d2 = jnp.zeros((RB, N), jnp.float32)
    for dd in range(3):
        col = jnp.broadcast_to(cT[dd:dd + 1, :], (RB, N))
        row = jnp.broadcast_to(cb[:, dd:dd + 1], (RB, N))
        diff = row - col
        d2 = d2 + diff * diff
    iota_col = lax.broadcasted_iota(jnp.int32, (RB, N), 1)
    row_glob = r * RB + lax.broadcasted_iota(jnp.int32, (RB, N), 0)
    d2 = jnp.where(iota_col == row_glob, d2 + 1e9, d2)
    cols = []
    for _ in range(K):
        mn = jnp.min(d2, axis=1, keepdims=True)
        idx = jnp.min(jnp.where(d2 <= mn, iota_col, N), axis=1, keepdims=True)
        cols.append(idx)
        d2 = jnp.where(iota_col == idx, BIG, d2)
    nbr = jnp.concatenate(cols, axis=1) + b * N
    nbr_ref[0] = nbr
    hb = h_ref[0]
    tab_ref[0] = jnp.concatenate(
        [hb, cb, jnp.zeros((RB, TW - DIM - 3), jnp.float32)], axis=1)


def _knn_prep(coord, coordT, h):
    return pl.pallas_call(
        _knn_prep_body,
        grid=(NB, N // RB),
        in_specs=[
            pl.BlockSpec((1, RB, 3), lambda b, r: (b, r, 0)),
            pl.BlockSpec((1, 3, N), lambda b, r: (b, 0, 0)),
            pl.BlockSpec((1, RB, DIM), lambda b, r: (b, r, 0)),
        ],
        out_specs=[
            pl.BlockSpec((1, RB, K), lambda b, r: (b, r, 0)),
            pl.BlockSpec((1, RB, TW), lambda b, r: (b, r, 0)),
        ],
        out_shape=[
            jax.ShapeDtypeStruct((NB, N, K), jnp.int32),
            jax.ShapeDtypeStruct((NB, N, TW), jnp.float32),
        ],
    )(coord, coordT, h)


def _sc_gather(table_flat, idx_flat):
    mesh = plsc.VectorSubcoreMesh(core_axis_name="c", subcore_axis_name="s")

    @functools.partial(
        pl.kernel,
        mesh=mesh,
        out_type=jax.ShapeDtypeStruct((EDGES, TW), jnp.float32),
        scratch_types=[
            pltpu.VMEM((CHUNK,), jnp.int32),
            pltpu.VMEM((CHUNK, TW), jnp.float32),
            pltpu.SemaphoreType.DMA,
        ],
    )
    def gk(table_hbm, idx_hbm, out_hbm, idx_v, rows_v, sem):
        wid = lax.axis_index("s") * SC_NC + lax.axis_index("c")
        base = wid * E_PER_W

        def body(c, _):
            off = base + c * CHUNK
            pltpu.sync_copy(idx_hbm.at[pl.ds(off, CHUNK)], idx_v)
            pltpu.async_copy(table_hbm.at[idx_v], rows_v, sem).wait()
            pltpu.sync_copy(rows_v, out_hbm.at[pl.ds(off, CHUNK)])
            return 0

        lax.fori_loop(0, NCHUNK, body, 0)

    return gk(table_flat, idx_flat)


def _edge_node_body(edge_ref, h_ref, coord_ref,
                    eW1_ref, eb1_ref, eW2_ref, eb2_ref, cW_ref, cb_ref,
                    nW1_ref, nb1_ref, nW2_ref, nb2_ref,
                    h_out_ref, coord_out_ref):
    E = RE * K
    ed = edge_ref[0]
    hj = ed[:, 0:DIM]
    cj = ed[:, DIM:DIM + 3]
    cb = coord_ref[0]
    hb = h_ref[0]
    hi = jnp.broadcast_to(hb[:, None, :], (RE, K, DIM)).reshape(E, DIM)
    ci = jnp.broadcast_to(cb[:, None, :], (RE, K, 3)).reshape(E, 3)
    rel = ci - cj
    rd = jnp.sum(rel * rel, axis=1, keepdims=True)
    edge_in = jnp.concatenate([hi, hj, rd], axis=1)
    m1 = _silu(jnp.dot(edge_in, eW1_ref[:], preferred_element_type=jnp.float32)
               + eb1_ref[:][None, :])
    m = _silu(jnp.dot(m1, eW2_ref[:], preferred_element_type=jnp.float32)
              + eb2_ref[:][None, :])
    w = jnp.dot(m, cW_ref[:], preferred_element_type=jnp.float32) + cb_ref[0]
    rel_n = rel / (jnp.sqrt(rd) + 1.0)
    contrib = (rel_n * w).reshape(RE, K, 3)
    csum = contrib[:, 0, :]
    for kk in range(1, K):
        csum = csum + contrib[:, kk, :]
    coord_out_ref[0] = cb + csum * (1.0 / K)
    m3 = m.reshape(RE, K, HID)
    m_i = m3[:, 0, :]
    for kk in range(1, K):
        m_i = m_i + m3[:, kk, :]
    node_in = jnp.concatenate([hb, m_i], axis=1)
    t1 = _silu(jnp.dot(node_in, nW1_ref[:], preferred_element_type=jnp.float32)
               + nb1_ref[:][None, :])
    h_out_ref[0] = hb + (jnp.dot(t1, nW2_ref[:],
                                 preferred_element_type=jnp.float32)
                         + nb2_ref[:][None, :])


def _edge_node(edge, h, coord, lp):
    return pl.pallas_call(
        _edge_node_body,
        grid=(NB, N // RE),
        in_specs=[
            pl.BlockSpec((1, RE * K, TW), lambda b, r: (b, r, 0)),
            pl.BlockSpec((1, RE, DIM), lambda b, r: (b, r, 0)),
            pl.BlockSpec((1, RE, 3), lambda b, r: (b, r, 0)),
            pl.BlockSpec((2 * DIM + 1, HID), lambda b, r: (0, 0)),
            pl.BlockSpec((HID,), lambda b, r: (0,)),
            pl.BlockSpec((HID, HID), lambda b, r: (0, 0)),
            pl.BlockSpec((HID,), lambda b, r: (0,)),
            pl.BlockSpec((HID, 1), lambda b, r: (0, 0)),
            pl.BlockSpec((1,), lambda b, r: (0,)),
            pl.BlockSpec((DIM + HID, HID), lambda b, r: (0, 0)),
            pl.BlockSpec((HID,), lambda b, r: (0,)),
            pl.BlockSpec((HID, DIM), lambda b, r: (0, 0)),
            pl.BlockSpec((DIM,), lambda b, r: (0,)),
        ],
        out_specs=[
            pl.BlockSpec((1, RE, DIM), lambda b, r: (b, r, 0)),
            pl.BlockSpec((1, RE, 3), lambda b, r: (b, r, 0)),
        ],
        out_shape=[
            jax.ShapeDtypeStruct((NB, N, DIM), jnp.float32),
            jax.ShapeDtypeStruct((NB, N, 3), jnp.float32),
        ],
    )(edge, h, coord, lp["eW1"], lp["eb1"], lp["eW2"], lp["eb2"],
      lp["cW"], lp["cb"], lp["nW1"], lp["nb1"], lp["nW2"], lp["nb2"])


def _attn_body(h_ref, coord_ref, mu_ref, gamma_ref,
               Wq_ref, bq_ref, Wk_ref, bk_ref, Wv_ref, bv_ref,
               Wo_ref, bo_ref, aWT_ref, ab_ref, cWf_ref, cbf_ref,
               out_ref):
    coord = coord_ref[0]
    hb = h_ref[0]
    cent = jnp.sum(coord, axis=0, keepdims=True) * (1.0 / N)
    dc = coord - cent
    dist = jnp.sqrt(jnp.sum(dc * dc, axis=1, keepdims=True))
    gamma = gamma_ref[0, 0]
    dev = dist - mu_ref[:][None, :]
    rbf = jnp.exp(-gamma * dev * dev)
    T = jnp.concatenate([rbf, hb], axis=1)
    q = jnp.dot(T, Wq_ref[:], preferred_element_type=jnp.float32) \
        + bq_ref[:][None, :]
    k = jnp.dot(T, Wk_ref[:], preferred_element_type=jnp.float32) \
        + bk_ref[:][None, :]
    v = jnp.dot(T, Wv_ref[:], preferred_element_type=jnp.float32) \
        + bv_ref[:][None, :]
    cWf = cWf_ref[:]
    scale = 1.0 / np.sqrt(HID).astype(np.float32)
    agg = jnp.zeros((1, INNER), jnp.float32)
    RS = 256
    for rb in range(N // RS):
        qb = q[rb * RS:(rb + 1) * RS, :]
        s = lax.dot_general(qb, k, (((1,), (1,)), ((), ())),
                            preferred_element_type=jnp.float32) * scale
        mx = jnp.max(s, axis=1, keepdims=True)
        p = jnp.exp(s - mx)
        sm = jnp.sum(p, axis=1, keepdims=True)
        att = p / sm
        o_blk = jnp.dot(att, v, preferred_element_type=jnp.float32)
        tok2 = jnp.dot(o_blk, Wo_ref[:],
                       preferred_element_type=jnp.float32) \
            + bo_ref[:][None, :]
        agg = agg + jnp.dot(aWT_ref[:, rb * RS:(rb + 1) * RS], tok2,
                            preferred_element_type=jnp.float32)
    pr = agg + ab_ref[0]
    out = jnp.dot(pr, cWf, preferred_element_type=jnp.float32)[0, 0] \
        + cbf_ref[0]
    out_ref[0] = jnp.full((8, 128), out, jnp.float32)


def _attn(h, coord, params):
    ap = params["attn"]
    gamma = params["rbf"]["gamma"].reshape(1, 1)
    return pl.pallas_call(
        _attn_body,
        grid=(NB,),
        in_specs=[
            pl.BlockSpec((1, N, DIM), lambda b: (b, 0, 0)),
            pl.BlockSpec((1, N, 3), lambda b: (b, 0, 0)),
            pl.BlockSpec((BASIS,), lambda b: (0,)),
            pl.BlockSpec((1, 1), lambda b: (0, 0)),
            pl.BlockSpec((INNER, HID), lambda b: (0, 0)),
            pl.BlockSpec((HID,), lambda b: (0,)),
            pl.BlockSpec((INNER, HID), lambda b: (0, 0)),
            pl.BlockSpec((HID,), lambda b: (0,)),
            pl.BlockSpec((INNER, HID), lambda b: (0, 0)),
            pl.BlockSpec((HID,), lambda b: (0,)),
            pl.BlockSpec((HID, INNER), lambda b: (0, 0)),
            pl.BlockSpec((INNER,), lambda b: (0,)),
            pl.BlockSpec((1, N), lambda b: (0, 0)),
            pl.BlockSpec((1,), lambda b: (0,)),
            pl.BlockSpec((INNER, 1), lambda b: (0, 0)),
            pl.BlockSpec((1,), lambda b: (0,)),
        ],
        out_specs=pl.BlockSpec((1, 8, 128), lambda b: (b, 0, 0)),
        out_shape=jax.ShapeDtypeStruct((NB, 8, 128), jnp.float32),
    )(h, coord, params["rbf"]["mu"], gamma,
      ap["Wq"], ap["bq"], ap["Wk"], ap["bk"], ap["Wv"], ap["bv"],
      ap["Wo"], ap["bo"], params["agg"]["W"].T, params["agg"]["b"],
      params["ch_agg"]["W"], params["ch_agg"]["b"])


def kernel(z, x, params):
    h, coord = z, x
    for lp in params["egnn"]:
        coordT = jnp.transpose(coord, (0, 2, 1))
        nbr, table = _knn_prep(coord, coordT, h)
        edge = _sc_gather(table.reshape(NB * N, TW), nbr.reshape(EDGES))
        h, coord = _edge_node(edge.reshape(NB, N * K, TW), h, coord, lp)
    return _attn(h, coord, params)[:, 0, 0][None, :]

# --- scband reference (transcript-rebuilt; emitter-appended) ---
"""Pipeline reference for scband-model-1425929142324 (READ-ONLY COPY).

The authoritative reference and input builder live on the scoring server;
editing this copy changes nothing except your own understanding.
"""

import jax, jax.numpy as jnp
import numpy as np

DIM = 128
BASIS = 64
INNER = DIM + BASIS
DEPTH = 2
HID = 64
HOOD = 2048
K = 16
B = 2


def _dense(key, din, dout):
    k1, k2 = jax.random.split(key)
    s = 1.0 / np.sqrt(din)
    W = jax.random.uniform(k1, (din, dout), minval=-s, maxval=s, dtype=jnp.float32)
    b = jax.random.uniform(k2, (dout,), minval=-s, maxval=s, dtype=jnp.float32)
    return W, b


def setup_inputs(seed: int = 0):
    key = jax.random.key(seed)
    ks = jax.random.split(key, 40)
    z = jax.random.normal(ks[0], (B, HOOD, DIM), dtype=jnp.float32)
    x = jax.random.normal(ks[1], (B, HOOD, 3), dtype=jnp.float32) * 3.0
    layers = []
    i = 2
    for _ in range(DEPTH):
        eW1, eb1 = _dense(ks[i], 2 * DIM + 1, HID); i += 1
        eW2, eb2 = _dense(ks[i], HID, HID); i += 1
        cW, cb = _dense(ks[i], HID, 1); i += 1
        nW1, nb1 = _dense(ks[i], DIM + HID, HID); i += 1
        nW2, nb2 = _dense(ks[i], HID, DIM); i += 1
        layers.append({"eW1": eW1, "eb1": eb1, "eW2": eW2, "eb2": eb2,
                       "cW": cW, "cb": cb, "nW1": nW1, "nb1": nb1,
                       "nW2": nW2, "nb2": nb2})
    Wq, bq = _dense(ks[i], INNER, HID); i += 1
    Wk, bk = _dense(ks[i], INNER, HID); i += 1
    Wv, bv = _dense(ks[i], INNER, HID); i += 1
    Wo, bo = _dense(ks[i], HID, INNER); i += 1
    aW, ab = _dense(ks[i], HOOD, 1); i += 1
    cWf, cbf = _dense(ks[i], INNER, 1); i += 1
    params = {
        "egnn": layers,
        "rbf": {"mu": jnp.linspace(0.0, 20.0, BASIS).astype(jnp.float32),
                 "gamma": jnp.asarray(0.5, dtype=jnp.float32)},
        "attn": {"Wq": Wq, "bq": bq, "Wk": Wk, "bk": bk,
                  "Wv": Wv, "bv": bv, "Wo": Wo, "bo": bo},
        "agg": {"W": aW, "b": ab},
        "ch_agg": {"W": cWf, "b": cbf},
    }
    return {"z": z, "x": x, "params": params}


def _egnn_layer(h, coord, lp):
    # knn graph from current coordinates
    d = coord[:, :, None, :] - coord[:, None, :, :]
    dist2 = jnp.sum(d * d, axis=-1)
    dist2 = dist2 + jnp.eye(dist2.shape[-1], dtype=dist2.dtype) * 1e9
    _, nbr = jax.lax.top_k(-dist2, K)  # [B, N, K]
    h_j = jax.vmap(lambda hb, nb: hb[nb])(h, nbr)      # gather neighbor feats
    c_j = jax.vmap(lambda cb_, nb: cb_[nb])(coord, nbr)  # gather neighbor coords
    rel = coord[:, :, None, :] - c_j
    rd = jnp.sum(rel * rel, axis=-1, keepdims=True)
    h_i = jnp.broadcast_to(h[:, :, None, :], h_j.shape)
    edge_in = jnp.concatenate([h_i, h_j, rd], axis=-1)
    m = jax.nn.silu(edge_in @ lp["eW1"] + lp["eb1"])
    m = jax.nn.silu(m @ lp["eW2"] + lp["eb2"])
    w = m @ lp["cW"] + lp["cb"]
    rel_n = rel / (jnp.linalg.norm(rel, axis=-1, keepdims=True) + 1.0)  # norm_coors
    coord_new = coord + jnp.mean(rel_n * w, axis=2)
    m_i = jnp.sum(m, axis=2)  # segment-style reduce over neighbors
    node_in = jnp.concatenate([h, m_i], axis=-1)
    h_new = h + (jax.nn.silu(node_in @ lp["nW1"] + lp["nb1"]) @ lp["nW2"] + lp["nb2"])
    return h_new, coord_new


def reference(z, x, params):
    h, coord = z, x
    for lp in params["egnn"]:
        h, coord = _egnn_layer(h, coord, lp)
    cent = jnp.mean(coord, axis=1, keepdims=True)
    dist = jnp.linalg.norm(coord - cent, axis=-1)
    rbf = jnp.exp(-params["rbf"]["gamma"] * (dist[..., None] - params["rbf"]["mu"]) ** 2)
    r = jnp.transpose(rbf, (0, 2, 1))                       # [B, BASIS, N]
    tok = jnp.concatenate([r, jnp.transpose(h, (0, 2, 1))], axis=1)  # [B, INNER, N]
    t = jnp.transpose(tok, (2, 0, 1))                        # [N, B, INNER]
    ap = params["attn"]
    q = t @ ap["Wq"] + ap["bq"]
    k = t @ ap["Wk"] + ap["bk"]
    v = t @ ap["Wv"] + ap["bv"]
    scores = jnp.einsum("ibd,jbd->bij", q, k) / jnp.sqrt(jnp.asarray(HID, jnp.float32))
    att = jax.nn.softmax(scores, axis=-1)
    o = jnp.einsum("bij,jbd->ibd", att, v) @ ap["Wo"] + ap["bo"]  # [N, B, INNER]
    tok2 = jnp.transpose(o, (1, 0, 2))                       # [B, N, INNER]
    preds = jnp.transpose(tok2, (2, 0, 1)) @ params["agg"]["W"] + params["agg"]["b"]  # [INNER, B, 1]
    preds = jnp.transpose(preds, (2, 1, 0))                  # .T -> [1, B, INNER]
    preds = preds @ params["ch_agg"]["W"] + params["ch_agg"]["b"]  # [1, B, 1]
    preds = jnp.transpose(preds[0])                          # squeeze(0).T -> [1, B]
    return preds


if False:  # reference __main__ guard neutralized (emitter)
    out = reference(**setup_inputs())
    print(out.shape)

if __name__ == "__main__":
    import jax
    _d = setup_inputs()
    print(jax.jit(kernel)(*tuple(_d.values())))

</pallas_src>

<mosaic_0001>
#map = affine_map<(d0, d1) -> (0, 0)>
#map1 = affine_map<(d0, d1) -> (0)>
module attributes {stable_mosaic.version = 14 : i64} {
  func.func @gk(%arg0: i32, %arg1: i32, %arg2: memref<4096x256xf32, #tpu.memory_space<hbm>>, %arg3: memref<65536xi32, #tpu.memory_space<hbm>>, %arg4: memref<65536x256xf32, #tpu.memory_space<hbm>>, %arg5: memref<256xi32, #tpu.memory_space<vmem>>, %arg6: memref<256x256xf32, #tpu.memory_space<vmem>>, %arg7: memref<!tpu.dma_semaphore, #tpu.memory_space<semaphore_mem>>) attributes {dimension_semantics = [#tpu.dimension_semantics<core_parallel>, #tpu.dimension_semantics<subcore_parallel>], iteration_bounds = array<i64: 2, 16>, scalar_prefetch = 0 : i64, scratch_operands = 3 : i64, tpu.core_type = #tpu.core_type<sc_vector_subcore>, window_params = [{transform_indices = #map}, {transform_indices = #map1}, {transform_indices = #map}]} {
    %mul3A = arith.constant 2 : i32
    %mul3A_0 = arith.muli %arg1, %mul3A : i32
    %add3A = arith.addi %mul3A_0, %arg0 : i32
    %mul3A_1 = arith.constant 2048 : i32
    %mul3A_2 = arith.muli %add3A, %mul3A_1 : i32
    %scan3A = arith.constant 0 : i32
    %scan3A_3 = arith.constant 0 : i32
    %scan3A_4 = arith.constant 8 : i32
    %scan3A_5 = arith.addi %scan3A_3, %scan3A_4 : i32
    %scan3A_6 = arith.constant 1 : i32
    %scan3A_7 = scf.for %scan3A_9 = %scan3A_3 to %scan3A_5 step %scan3A_6 iter_args(%scan3A_10 = %scan3A) -> (i32)  : i32 {
      %mul3A_11 = arith.constant 256 : i32
      %mul3A_12 = arith.muli %scan3A_9, %mul3A_11 : i32
      %add3A_13 = arith.addi %mul3A_2, %mul3A_12 : i32
      "tpu.region"() ({
        %run_scoped3A = tpu.sem_alloc : memref<!tpu.dma_semaphore, #tpu.memory_space<semaphore_mem>>
        %dma_start3A_19 = tpu.memref_slice %arg3[%add3A_13] : memref<65536xi32, #tpu.memory_space<hbm>> -> memref<256xi32, #tpu.memory_space<hbm>>
        %dma_start3A_20 = tpu.memref_slice %arg3[%add3A_13] : memref<65536xi32, #tpu.memory_space<hbm>> -> memref<256xi32, #tpu.memory_space<hbm>>
        tpu.enqueue_dma source(%dma_start3A_20 : memref<256xi32, #tpu.memory_space<hbm>>) target(%arg5 : memref<256xi32, #tpu.memory_space<vmem>>) target_semaphore(%run_scoped3A : memref<!tpu.dma_semaphore, #tpu.memory_space<semaphore_mem>>)
        %dma_wait3A_21 = tpu.memref_slice %arg3[%add3A_13] : memref<65536xi32, #tpu.memory_space<hbm>> -> memref<256xi32, #tpu.memory_space<hbm>>
        %dma_wait3A_22 = tpu.memref_slice %arg3[%add3A_13] : memref<65536xi32, #tpu.memory_space<hbm>> -> memref<256xi32, #tpu.memory_space<hbm>>
        tpu.wait_dma2 semaphore(%run_scoped3A : memref<!tpu.dma_semaphore, #tpu.memory_space<semaphore_mem>>) src(%dma_wait3A_22 : memref<256xi32, #tpu.memory_space<hbm>>) dst(%arg5 : memref<256xi32, #tpu.memory_space<vmem>>)
        tpu.yield
      }) : () -> ()
      %dma_start3A = arith.constant 0 : i32
      %dma_start3A_14 = arith.constant 0 : i32
      %dma_start3A_15 = tpu.memref_slice %arg2[%dma_start3A, %dma_start3A_14] : memref<4096x256xf32, #tpu.memory_space<hbm>> -> memref<4096x256xf32, #tpu.memory_space<hbm>>
      tpu.enqueue_indirect_dma source(%dma_start3A_15 : memref<4096x256xf32, #tpu.memory_space<hbm>>) target(%arg6 : memref<256x256xf32, #tpu.memory_space<vmem>>) offsets(%arg5 : memref<256xi32, #tpu.memory_space<vmem>>) semaphore(%arg7 : memref<!tpu.dma_semaphore, #tpu.memory_space<semaphore_mem>>)
      %dma_wait3A = arith.constant 0 : i32
      %dma_wait3A_16 = arith.constant 0 : i32
      %dma_wait3A_17 = tpu.memref_slice %arg2[%dma_wait3A, %dma_wait3A_16] : memref<4096x256xf32, #tpu.memory_space<hbm>> -> memref<4096x256xf32, #tpu.memory_space<hbm>>
      tpu.wait_indirect_dma semaphore(%arg7 : memref<!tpu.dma_semaphore, #tpu.memory_space<semaphore_mem>>) src(%dma_wait3A_17 : memref<4096x256xf32, #tpu.memory_space<hbm>>) dst(%arg6 : memref<256x256xf32, #tpu.memory_space<vmem>>)
      "tpu.region"() ({
        %run_scoped3A = tpu.sem_alloc : memref<!tpu.dma_semaphore, #tpu.memory_space<semaphore_mem>>
        %dma_start3A_19 = arith.constant 0 : i32
        %dma_start3A_20 = tpu.memref_slice %arg4[%add3A_13, %dma_start3A_19] : memref<65536x256xf32, #tpu.memory_space<hbm>> -> memref<256x256xf32, #tpu.memory_space<hbm>>
        %dma_start3A_21 = arith.constant 0 : i32
        %dma_start3A_22 = tpu.memref_slice %arg4[%add3A_13, %dma_start3A_21] : memref<65536x256xf32, #tpu.memory_space<hbm>> -> memref<256x256xf32, #tpu.memory_space<hbm>>
        tpu.enqueue_dma source(%arg6 : memref<256x256xf32, #tpu.memory_space<vmem>>) target(%dma_start3A_22 : memref<256x256xf32, #tpu.memory_space<hbm>>) target_semaphore(%run_scoped3A : memref<!tpu.dma_semaphore, #tpu.memory_space<semaphore_mem>>)
        %dma_wait3A_23 = arith.constant 0 : i32
        %dma_wait3A_24 = tpu.memref_slice %arg4[%add3A_13, %dma_wait3A_23] : memref<65536x256xf32, #tpu.memory_space<hbm>> -> memref<256x256xf32, #tpu.memory_space<hbm>>
        %dma_wait3A_25 = arith.constant 0 : i32
        %dma_wait3A_26 = tpu.memref_slice %arg4[%add3A_13, %dma_wait3A_25] : memref<65536x256xf32, #tpu.memory_space<hbm>> -> memref<256x256xf32, #tpu.memory_space<hbm>>
        tpu.wait_dma2 semaphore(%run_scoped3A : memref<!tpu.dma_semaphore, #tpu.memory_space<semaphore_mem>>) src(%arg6 : memref<256x256xf32, #tpu.memory_space<vmem>>) dst(%dma_wait3A_26 : memref<256x256xf32, #tpu.memory_space<hbm>>)
        tpu.yield
      }) : () -> ()
      %scan3A_18 = arith.constant 0 : i32
      scf.yield %scan3A_18 : i32
    }
    %scan3A_8 = arith.constant 8 : i32
    return
  }
}

#map = affine_map<(d0, d1) -> (0, 0)>
#map1 = affine_map<(d0, d1) -> (0)>
module attributes {stable_mosaic.version = 14 : i64} {
  func.func @gk(%arg0: i32, %arg1: i32, %arg2: memref<4096x256xf32, #tpu.memory_space<hbm>>, %arg3: memref<65536xi32, #tpu.memory_space<hbm>>, %arg4: memref<65536x256xf32, #tpu.memory_space<hbm>>, %arg5: memref<256xi32, #tpu.memory_space<vmem>>, %arg6: memref<256x256xf32, #tpu.memory_space<vmem>>, %arg7: memref<!tpu.dma_semaphore, #tpu.memory_space<semaphore_mem>>) attributes {dimension_semantics = [#tpu.dimension_semantics<core_parallel>, #tpu.dimension_semantics<subcore_parallel>], iteration_bounds = array<i64: 2, 16>, scalar_prefetch = 0 : i64, scratch_operands = 3 : i64, tpu.core_type = #tpu.core_type<sc_vector_subcore>, window_params = [{transform_indices = #map}, {transform_indices = #map1}, {transform_indices = #map}]} {
    %mul3A = arith.constant 2 : i32
    %mul3A_0 = arith.muli %arg1, %mul3A : i32
    %add3A = arith.addi %mul3A_0, %arg0 : i32
    %mul3A_1 = arith.constant 2048 : i32
    %mul3A_2 = arith.muli %add3A, %mul3A_1 : i32
    %scan3A = arith.constant 0 : i32
    %scan3A_3 = arith.constant 0 : i32
    %scan3A_4 = arith.constant 8 : i32
    %scan3A_5 = arith.addi %scan3A_3, %scan3A_4 : i32
    %scan3A_6 = arith.constant 1 : i32
    %scan3A_7 = scf.for %scan3A_9 = %scan3A_3 to %scan3A_5 step %scan3A_6 iter_args(%scan3A_10 = %scan3A) -> (i32)  : i32 {
      %mul3A_11 = arith.constant 256 : i32
      %mul3A_12 = arith.muli %scan3A_9, %mul3A_11 : i32
      %add3A_13 = arith.addi %mul3A_2, %mul3A_12 : i32
      "tpu.region"() ({
        %run_scoped3A = tpu.sem_alloc : memref<!tpu.dma_semaphore, #tpu.memory_space<semaphore_mem>>
        %dma_start3A_19 = tpu.memref_slice %arg3[%add3A_13] : memref<65536xi32, #tpu.memory_space<hbm>> -> memref<256xi32, #tpu.memory_space<hbm>>
        %dma_start3A_20 = tpu.memref_slice %arg3[%add3A_13] : memref<65536xi32, #tpu.memory_space<hbm>> -> memref<256xi32, #tpu.memory_space<hbm>>
        tpu.enqueue_dma source(%dma_start3A_20 : memref<256xi32, #tpu.memory_space<hbm>>) target(%arg5 : memref<256xi32, #tpu.memory_space<vmem>>) target_semaphore(%run_scoped3A : memref<!tpu.dma_semaphore, #tpu.memory_space<semaphore_mem>>)
        %dma_wait3A_21 = tpu.memref_slice %arg3[%add3A_13] : memref<65536xi32, #tpu.memory_space<hbm>> -> memref<256xi32, #tpu.memory_space<hbm>>
        %dma_wait3A_22 = tpu.memref_slice %arg3[%add3A_13] : memref<65536xi32, #tpu.memory_space<hbm>> -> memref<256xi32, #tpu.memory_space<hbm>>
        tpu.wait_dma2 semaphore(%run_scoped3A : memref<!tpu.dma_semaphore, #tpu.memory_space<semaphore_mem>>) src(%dma_wait3A_22 : memref<256xi32, #tpu.memory_space<hbm>>) dst(%arg5 : memref<256xi32, #tpu.memory_space<vmem>>)
        tpu.yield
      }) : () -> ()
      %dma_start3A = arith.constant 0 : i32
      %dma_start3A_14 = arith.constant 0 : i32
      %dma_start3A_15 = tpu.memref_slice %arg2[%dma_start3A, %dma_start3A_14] : memref<4096x256xf32, #tpu.memory_space<hbm>> -> memref<4096x256xf32, #tpu.memory_space<hbm>>
      tpu.enqueue_indirect_dma source(%dma_start3A_15 : memref<4096x256xf32, #tpu.memory_space<hbm>>) target(%arg6 : memref<256x256xf32, #tpu.memory_space<vmem>>) offsets(%arg5 : memref<256xi32, #tpu.memory_space<vmem>>) semaphore(%arg7 : memref<!tpu.dma_semaphore, #tpu.memory_space<semaphore_mem>>)
      %dma_wait3A = arith.constant 0 : i32
      %dma_wait3A_16 = arith.constant 0 : i32
      %dma_wait3A_17 = tpu.memref_slice %arg2[%dma_wait3A, %dma_wait3A_16] : memref<4096x256xf32, #tpu.memory_space<hbm>> -> memref<4096x256xf32, #tpu.memory_space<hbm>>
      tpu.wait_indirect_dma semaphore(%arg7 : memref<!tpu.dma_semaphore, #tpu.memory_space<semaphore_mem>>) src(%dma_wait3A_17 : memref<4096x256xf32, #tpu.memory_space<hbm>>) dst(%arg6 : memref<256x256xf32, #tpu.memory_space<vmem>>)
      "tpu.region"() ({
        %run_scoped3A = tpu.sem_alloc : memref<!tpu.dma_semaphore, #tpu.memory_space<semaphore_mem>>
        %dma_start3A_19 = arith.constant 0 : i32
        %dma_start3A_20 = tpu.memref_slice %arg4[%add3A_13, %dma_start3A_19] : memref<65536x256xf32, #tpu.memory_space<hbm>> -> memref<256x256xf32, #tpu.memory_space<hbm>>
        %dma_start3A_21 = arith.constant 0 : i32
        %dma_start3A_22 = tpu.memref_slice %arg4[%add3A_13, %dma_start3A_21] : memref<65536x256xf32, #tpu.memory_space<hbm>> -> memref<256x256xf32, #tpu.memory_space<hbm>>
        tpu.enqueue_dma source(%arg6 : memref<256x256xf32, #tpu.memory_space<vmem>>) target(%dma_start3A_22 : memref<256x256xf32, #tpu.memory_space<hbm>>) target_semaphore(%run_scoped3A : memref<!tpu.dma_semaphore, #tpu.memory_space<semaphore_mem>>)
        %dma_wait3A_23 = arith.constant 0 : i32
        %dma_wait3A_24 = tpu.memref_slice %arg4[%add3A_13, %dma_wait3A_23] : memref<65536x256xf32, #tpu.memory_space<hbm>> -> memref<256x256xf32, #tpu.memory_space<hbm>>
        %dma_wait3A_25 = arith.constant 0 : i32
        %dma_wait3A_26 = tpu.memref_slice %arg4[%add3A_13, %dma_wait3A_25] : memref<65536x256xf32, #tpu.memory_space<hbm>> -> memref<256x256xf32, #tpu.memory_space<hbm>>
        tpu.wait_dma2 semaphore(%run_scoped3A : memref<!tpu.dma_semaphore, #tpu.memory_space<semaphore_mem>>) src(%arg6 : memref<256x256xf32, #tpu.memory_space<vmem>>) dst(%dma_wait3A_26 : memref<256x256xf32, #tpu.memory_space<hbm>>)
        tpu.yield
      }) : () -> ()
      %scan3A_18 = arith.constant 0 : i32
      scf.yield %scan3A_18 : i32
    }
    %scan3A_8 = arith.constant 8 : i32
    return
  }
}

module attributes {stable_mosaic.version = 14 : i64} {
  func.func @_knn_prep_body(%arg0: i32, %arg1: i32, %arg2: memref<1x256x3xf32, #tpu.memory_space<vmem>>, %arg3: memref<1x3x2048xf32, #tpu.memory_space<vmem>>, %arg4: memref<1x256x128xf32, #tpu.memory_space<vmem>>, %arg5: memref<1x256x16xi32, #tpu.memory_space<vmem>>, %arg6: memref<1x256x256xf32, #tpu.memory_space<vmem>>) attributes {dimension_semantics = [#tpu.dimension_semantics<arbitrary>, #tpu.dimension_semantics<arbitrary>], iteration_bounds = array<i64: 2, 8>, scalar_prefetch = 0 : i64, scratch_operands = 0 : i64, tpu.core_type = #tpu.core_type<tc>, window_params = [{transform_indices = @transform_0, window_bounds = array<i64: 1, 256, 3>}, {transform_indices = @transform_1, window_bounds = array<i64: 1, 3, 2048>}, {transform_indices = @transform_2, window_bounds = array<i64: 1, 256, 128>}, {transform_indices = @transform_3, window_bounds = array<i64: 1, 256, 16>}, {transform_indices = @transform_4, window_bounds = array<i64: 1, 256, 256>}]} {
    %get3A = arith.constant 0 : index
    %get3A_0 = arith.constant 0 : index
    %get3A_1 = arith.constant 0 : index
    %get3A_2 = vector.load %arg2[%get3A, %get3A_0, %get3A_1] : memref<1x256x3xf32, #tpu.memory_space<vmem>>, vector<1x256x3xf32>
    %get3A_3 = vector.shape_cast %get3A_2 : vector<1x256x3xf32> to vector<256x3xf32>
    %get3A_4 = arith.constant 0 : index
    %get3A_5 = arith.constant 0 : index
    %get3A_6 = arith.constant 0 : index
    %get3A_7 = vector.load %arg3[%get3A_4, %get3A_5, %get3A_6] : memref<1x3x2048xf32, #tpu.memory_space<vmem>>, vector<1x3x2048xf32>
    %get3A_8 = vector.shape_cast %get3A_7 : vector<1x3x2048xf32> to vector<3x2048xf32>
    %broadcast_in_dim3A = arith.constant 0.000000e+00 : f32
    %broadcast_in_dim3A_9 = vector.broadcast %broadcast_in_dim3A : f32 to vector<256x2048xf32>
    %slice3A = vector.extract_strided_slice %get3A_8 {offsets = [0, 0], sizes = [1, 2048], strides = [1, 1]} : vector<3x2048xf32> to vector<1x2048xf32>
    %broadcast_in_dim3A_10 = vector.shape_cast %slice3A : vector<1x2048xf32> to vector<1x2048xf32>
    %broadcast_in_dim3A_11 = vector.broadcast %broadcast_in_dim3A_10 : vector<1x2048xf32> to vector<256x2048xf32>
    %slice3A_12 = vector.extract_strided_slice %get3A_3 {offsets = [0, 0], sizes = [256, 1], strides = [1, 1]} : vector<256x3xf32> to vector<256x1xf32>
    %broadcast_in_dim3A_13 = vector.shape_cast %slice3A_12 : vector<256x1xf32> to vector<256x1xf32>
    %broadcast_in_dim3A_14 = vector.broadcast %broadcast_in_dim3A_13 : vector<256x1xf32> to vector<256x2048xf32>
    %sub3A = arith.subf %broadcast_in_dim3A_14, %broadcast_in_dim3A_11 : vector<256x2048xf32>
    %mul3A = arith.mulf %sub3A, %sub3A : vector<256x2048xf32>
    %add3A = arith.addf %broadcast_in_dim3A_9, %mul3A : vector<256x2048xf32>
    %slice3A_15 = vector.extract_strided_slice %get3A_8 {offsets = [1, 0], sizes = [1, 2048], strides = [1, 1]} : vector<3x2048xf32> to vector<1x2048xf32>
    %broadcast_in_dim3A_16 = vector.shape_cast %slice3A_15 : vector<1x2048xf32> to vector<1x2048xf32>
    %broadcast_in_dim3A_17 = vector.broadcast %broadcast_in_dim3A_16 : vector<1x2048xf32> to vector<256x2048xf32>
    %slice3A_18 = vector.extract_strided_slice %get3A_3 {offsets = [0, 1], sizes = [256, 1], strides = [1, 1]} : vector<256x3xf32> to vector<256x1xf32>
    %broadcast_in_dim3A_19 = vector.shape_cast %slice3A_18 : vector<256x1xf32> to vector<256x1xf32>
    %broadcast_in_dim3A_20 = vector.broadcast %broadcast_in_dim3A_19 : vector<256x1xf32> to vector<256x2048xf32>
    %sub3A_21 = arith.subf %broadcast_in_dim3A_20, %broadcast_in_dim3A_17 : vector<256x2048xf32>
    %mul3A_22 = arith.mulf %sub3A_21, %sub3A_21 : vector<256x2048xf32>
    %add3A_23 = arith.addf %add3A, %mul3A_22 : vector<256x2048xf32>
    %slice3A_24 = vector.extract_strided_slice %get3A_8 {offsets = [2, 0], sizes = [1, 2048], strides = [1, 1]} : vector<3x2048xf32> to vector<1x2048xf32>
    %broadcast_in_dim3A_25 = vector.shape_cast %slice3A_24 : vector<1x2048xf32> to vector<1x2048xf32>
    %broadcast_in_dim3A_26 = vector.broadcast %broadcast_in_dim3A_25 : vector<1x2048xf32> to vector<256x2048xf32>
    %slice3A_27 = vector.extract_strided_slice %get3A_3 {offsets = [0, 2], sizes = [256, 1], strides = [1, 1]} : vector<256x3xf32> to vector<256x1xf32>
    %broadcast_in_dim3A_28 = vector.shape_cast %slice3A_27 : vector<256x1xf32> to vector<256x1xf32>
    %broadcast_in_dim3A_29 = vector.broadcast %broadcast_in_dim3A_28 : vector<256x1xf32> to vector<256x2048xf32>
    %sub3A_30 = arith.subf %broadcast_in_dim3A_29, %broadcast_in_dim3A_26 : vector<256x2048xf32>
    %mul3A_31 = arith.mulf %sub3A_30, %sub3A_30 : vector<256x2048xf32>
    %add3A_32 = arith.addf %add3A_23, %mul3A_31 : vector<256x2048xf32>
    %iota3A = tpu.iota {dimensions = array<i32: 1>} : vector<256x2048xi32>
    %mul3A_33 = arith.constant 256 : i32
    %mul3A_34 = arith.muli %arg1, %mul3A_33 : i32
    %iota3A_35 = tpu.iota {dimensions = array<i32: 0>} : vector<256x2048xi32>
    %add3A_36 = vector.broadcast %mul3A_34 : i32 to vector<256x2048xi32>
    %add3A_37 = arith.addi %add3A_36, %iota3A_35 : vector<256x2048xi32>
    %eq3A = arith.cmpi eq, %iota3A, %add3A_37 : vector<256x2048xi32>
    %add3A_38 = arith.constant 1.000000e+09 : f32
    %add3A_39 = vector.broadcast %add3A_38 : f32 to vector<256x2048xf32>
    %add3A_40 = arith.addf %add3A_32, %add3A_39 : vector<256x2048xf32>
    %select_n3A = arith.select %eq3A, %add3A_40, %add3A_32 : vector<256x2048xi1>, vector<256x2048xf32>
    %reduce_min3A = arith.constant dense<0x7F800000> : vector<256xf32>
    %reduce_min3A_41 = vector.multi_reduction <minimumf>, %select_n3A, %reduce_min3A [1] : vector<256x2048xf32> to vector<256xf32>
    %broadcast_in_dim3A_42 = vector.shape_cast %reduce_min3A_41 : vector<256xf32> to vector<256x1xf32>
    %le3A = vector.broadcast %broadcast_in_dim3A_42 : vector<256x1xf32> to vector<256x2048xf32>
    %le3A_43 = arith.cmpf ole, %select_n3A, %le3A : vector<256x2048xf32>
    %jit3A = arith.constant 2048 : i32
    %broadcast_in_dim3A_44 = vector.broadcast %jit3A : i32 to vector<256x2048xi32>
    %select_n3A_45 = arith.select %le3A_43, %iota3A, %broadcast_in_dim3A_44 : vector<256x2048xi1>, vector<256x2048xi32>
    %reduce_min3A_46 = arith.constant dense<2147483647> : vector<256xi32>
    %reduce_min3A_47 = vector.multi_reduction <minsi>, %select_n3A_45, %reduce_min3A_46 [1] : vector<256x2048xi32> to vector<256xi32>
    %broadcast_in_dim3A_48 = vector.shape_cast %reduce_min3A_47 : vector<256xi32> to vector<256x1xi32>
    %eq3A_49 = vector.broadcast %broadcast_in_dim3A_48 : vector<256x1xi32> to vector<256x2048xi32>
    %eq3A_50 = arith.cmpi eq, %iota3A, %eq3A_49 : vector<256x2048xi32>
    %jit3A_51 = arith.constant 3.400000e+38 : f32
    %broadcast_in_dim3A_52 = vector.broadcast %jit3A_51 : f32 to vector<256x2048xf32>
    %select_n3A_53 = arith.select %eq3A_50, %broadcast_in_dim3A_52, %select_n3A : vector<256x2048xi1>, vector<256x2048xf32>
    %reduce_min3A_54 = arith.constant dense<0x7F800000> : vector<256xf32>
    %reduce_min3A_55 = vector.multi_reduction <minimumf>, %select_n3A_53, %reduce_min3A_54 [1] : vector<256x2048xf32> to vector<256xf32>
    %broadcast_in_dim3A_56 = vector.shape_cast %reduce_min3A_55 : vector<256xf32> to vector<256x1xf32>
    %le3A_57 = vector.broadcast %broadcast_in_dim3A_56 : vector<256x1xf32> to vector<256x2048xf32>
    %le3A_58 = arith.cmpf ole, %select_n3A_53, %le3A_57 : vector<256x2048xf32>
    %jit3A_59 = arith.constant 2048 : i32
    %broadcast_in_dim3A_60 = vector.broadcast %jit3A_59 : i32 to vector<256x2048xi32>
    %select_n3A_61 = arith.select %le3A_58, %iota3A, %broadcast_in_dim3A_60 : vector<256x2048xi1>, vector<256x2048xi32>
    %reduce_min3A_62 = arith.constant dense<2147483647> : vector<256xi32>
    %reduce_min3A_63 = vector.multi_reduction <minsi>, %select_n3A_61, %reduce_min3A_62 [1] : vector<256x2048xi32> to vector<256xi32>
    %broadcast_in_dim3A_64 = vector.shape_cast %reduce_min3A_63 : vector<256xi32> to vector<256x1xi32>
    %eq3A_65 = vector.broadcast %broadcast_in_dim3A_64 : vector<256x1xi32> to vector<256x2048xi32>
    %eq3A_66 = arith.cmpi eq, %iota3A, %eq3A_65 : vector<256x2048xi32>
    %jit3A_67 = arith.constant 3.400000e+38 : f32
    %broadcast_in_dim3A_68 = vector.broadcast %jit3A_67 : f32 to vector<256x2048xf32>
    %select_n3A_69 = arith.select %eq3A_66, %broadcast_in_dim3A_68, %select_n3A_53 : vector<256x2048xi1>, vector<256x2048xf32>
    %reduce_min3A_70 = arith.constant dense<0x7F800000> : vector<256xf32>
    %reduce_min3A_71 = vector.multi_reduction <minimumf>, %select_n3A_69, %reduce_min3A_70 [1] : vector<256x2048xf32> to vector<256xf32>
    %broadcast_in_dim3A_72 = vector.shape_cast %reduce_min3A_71 : vector<256xf32> to vector<256x1xf32>
    %le3A_73 = vector.broadcast %broadcast_in_dim3A_72 : vector<256x1xf32> to vector<256x2048xf32>
    %le3A_74 = arith.cmpf ole, %select_n3A_69, %le3A_73 : vector<256x2048xf32>
    %jit3A_75 = arith.constant 2048 : i32
    %broadcast_in_dim3A_76 = vector.broadcast %jit3A_75 : i32 to vector<256x2048xi32>
    %select_n3A_77 = arith.select %le3A_74, %iota3A, %broadcast_in_dim3A_76 : vector<256x2048xi1>, vector<256x2048xi32>
    %reduce_min3A_78 = arith.constant dense<2147483647> : vector<256xi32>
    %reduce_min3A_79 = vector.multi_reduction <minsi>, %select_n3A_77, %reduce_min3A_78 [1] : vector<256x2048xi32> to vector<256xi32>
    %broadcast_in_dim3A_80 = vector.shape_cast %reduce_min3A_79 : vector<256xi32> to vector<256x1xi32>
    %eq3A_81 = vector.broadcast %broadcast_in_dim3A_80 : vector<256x1xi32> to vector<256x2048xi32>
    %eq3A_82 = arith.cmpi eq, %iota3A, %eq3A_81 : vector<256x2048xi32>
    %jit3A_83 = arith.constant 3.400000e+38 : f32
    %broadcast_in_dim3A_84 = vector.broadcast %jit3A_83 : f32 to vector<256x2048xf32>
    %select_n3A_85 = arith.select %eq3A_82, %broadcast_in_dim3A_84, %select_n3A_69 : vector<256x2048xi1>, vector<256x2048xf32>
    %reduce_min3A_86 = arith.constant dense<0x7F800000> : vector<256xf32>
    %reduce_min3A_87 = vector.multi_reduction <minimumf>, %select_n3A_85, %reduce_min3A_86 [1] : vector<256x2048xf32> to vector<256xf32>
    %broadcast_in_dim3A_88 = vector.shape_cast %reduce_min3A_87 : vector<256xf32> to vector<256x1xf32>
    %le3A_89 = vector.broadcast %broadcast_in_dim3A_88 : vector<256x1xf32> to vector<256x2048xf32>
    %le3A_90 = arith.cmpf ole, %select_n3A_85, %le3A_89 : vector<256x2048xf32>
    %jit3A_91 = arith.constant 2048 : i32
    %broadcast_in_dim3A_92 = vector.broadcast %jit3A_91 : i32 to vector<256x2048xi32>
    %select_n3A_93 = arith.select %le3A_90, %iota3A, %broadcast_in_dim3A_92 : vector<256x2048xi1>, vector<256x2048xi32>
    %reduce_min3A_94 = arith.constant dense<2147483647> : vector<256xi32>
    %reduce_min3A_95 = vector.multi_reduction <minsi>, %select_n3A_93, %reduce_min3A_94 [1] : vector<256x2048xi32> to vector<256xi32>
    %broadcast_in_dim3A_96 = vector.shape_cast %reduce_min3A_95 : vector<256xi32> to vector<256x1xi32>
    %eq3A_97 = vector.broadcast %broadcast_in_dim3A_96 : vector<256x1xi32> to vector<256x2048xi32>
    %eq3A_98 = arith.cmpi eq, %iota3A, %eq3A_97 : vector<256x2048xi32>
    %jit3A_99 = arith.constant 3.400000e+38 : f32
    %broadcast_in_dim3A_100 = vector.broadcast %jit3A_99 : f32 to vector<256x2048xf32>
    %select_n3A_101 = arith.select %eq3A_98, %broadcast_in_dim3A_100, %select_n3A_85 : vector<256x2048xi1>, vector<256x2048xf32>
    %reduce_min3A_102 = arith.constant dense<0x7F800000> : vector<256xf32>
    %reduce_min3A_103 = vector.multi_reduction <minimumf>, %select_n3A_101, %reduce_min3A_102 [1] : vector<256x2048xf32> to vector<256xf32>
    %broadcast_in_dim3A_104 = vector.shape_cast %reduce_min3A_103 : vector<256xf32> to vector<256x1xf32>
    %le3A_105 = vector.broadcast %broadcast_in_dim3A_104 : vector<256x1xf32> to vector<256x2048xf32>
    %le3A_106 = arith.cmpf ole, %select_n3A_101, %le3A_105 : vector<256x2048xf32>
    %jit3A_107 = arith.constant 2048 : i32
    %broadcast_in_dim3A_108 = vector.broadcast %jit3A_107 : i32 to vector<256x2048xi32>
    %select_n3A_109 = arith.select %le3A_106, %iota3A, %broadcast_in_dim3A_108 : vector<256x2048xi1>, vector<256x2048xi32>
    %reduce_min3A_110 = arith.constant dense<2147483647> : vector<256xi32>
    %reduce_min3A_111 = vector.multi_reduction <minsi>, %select_n3A_109, %reduce_min3A_110 [1] : vector<256x2048xi32> to vector<256xi32>
    %broadcast_in_dim3A_112 = vector.shape_cast %reduce_min3A_111 : vector<256xi32> to vector<256x1xi32>
    %eq3A_113 = vector.broadcast %broadcast_in_dim3A_112 : vector<256x1xi32> to vector<256x2048xi32>
    %eq3A_114 = arith.cmpi eq, %iota3A, %eq3A_113 : vector<256x2048xi32>
    %jit3A_115 = arith.constant 3.400000e+38 : f32
    %broadcast_in_dim3A_116 = vector.broadcast %jit3A_115 : f32 to vector<256x2048xf32>
    %select_n3A_117 = arith.select %eq3A_114, %broadcast_in_dim3A_116, %select_n3A_101 : vector<256x2048xi1>, vector<256x2048xf32>
    %reduce_min3A_118 = arith.constant dense<0x7F800000> : vector<256xf32>
    %reduce_min3A_119 = vector.multi_reduction <minimumf>, %select_n3A_117, %reduce_min3A_118 [1] : vector<256x2048xf32> to vector<256xf32>
    %broadcast_in_dim3A_120 = vector.shape_cast %reduce_min3A_119 : vector<256xf32> to vector<256x1xf32>
    %le3A_121 = vector.broadcast %broadcast_in_dim3A_120 : vector<256x1xf32> to vector<256x2048xf32>
    %le3A_122 = arith.cmpf ole, %select_n3A_117, %le3A_121 : vector<256x2048xf32>
    %jit3A_123 = arith.constant 2048 : i32
    %broadcast_in_dim3A_124 = vector.broadcast %jit3A_123 : i32 to vector<256x2048xi32>
    %select_n3A_125 = arith.select %le3A_122, %iota3A, %broadcast_in_dim3A_124 : vector<256x2048xi1>, vector<256x2048xi32>
    %reduce_min3A_126 = arith.constant dense<2147483647> : vector<256xi32>
    %reduce_min3A_127 = vector.multi_reduction <minsi>, %select_n3A_125, %reduce_min3A_126 [1] : vector<256x2048xi32> to vector<256xi32>
    %broadcast_in_dim3A_128 = vector.shape_cast %reduce_min3A_127 : vector<256xi32> to vector<256x1xi32>
    %eq3A_129 = vector.broadcast %broadcast_in_dim3A_128 : vector<256x1xi32> to vector<256x2048xi32>
    %eq3A_130 = arith.cmpi eq, %iota3A, %eq3A_129 : vector<256x2048xi32>
    %jit3A_131 = arith.constant 3.400000e+38 : f32
    %broadcast_in_dim3A_132 = vector.broadcast %jit3A_131 : f32 to vector<256x2048xf32>
    %select_n3A_133 = arith.select %eq3A_130, %broadcast_in_dim3A_132, %select_n3A_117 : vector<256x2048xi1>, vector<256x2048xf32>
    %reduce_min3A_134 = arith.constant dense<0x7F800000> : vector<256xf32>
    %reduce_min3A_135 = vector.multi_reduction <minimumf>, %select_n3A_133, %reduce_min3A_134 [1] : vector<256x2048xf32> to vector<256xf32>
    %broadcast_in_dim3A_136 = vector.shape_cast %reduce_min3A_135 : vector<256xf32> to vector<256x1xf32>
    %le3A_137 = vector.broadcast %broadcast_in_dim3A_136 : vector<256x1xf32> to vector<256x2048xf32>
    %le3A_138 = arith.cmpf ole, %select_n3A_133, %le3A_137 : vector<256x2048xf32>
    %jit3A_139 = arith.constant 2048 : i32
    %broadcast_in_dim3A_140 = vector.broadcast %jit3A_139 : i32 to vector<256x2048xi32>
    %select_n3A_141 = arith.select %le3A_138, %iota3A, %broadcast_in_dim3A_140 : vector<256x2048xi1>, vector<256x2048xi32>
    %reduce_min3A_142 = arith.constant dense<2147483647> : vector<256xi32>
    %reduce_min3A_143 = vector.multi_reduction <minsi>, %select_n3A_141, %reduce_min3A_142 [1] : vector<256x2048xi32> to vector<256xi32>
    %broadcast_in_dim3A_144 = vector.shape_cast %reduce_min3A_143 : vector<256xi32> to vector<256x1xi32>
    %eq3A_145 = vector.broadcast %broadcast_in_dim3A_144 : vector<256x1xi32> to vector<256x2048xi32>
    %eq3A_146 = arith.cmpi eq, %iota3A, %eq3A_145 : vector<256x2048xi32>
    %jit3A_147 = arith.constant 3.400000e+38 : f32
    %broadcast_in_dim3A_148 = vector.broadcast %jit3A_147 : f32 to vector<256x2048xf32>
    %select_n3A_149 = arith.select %eq3A_146, %broadcast_in_dim3A_148, %select_n3A_133 : vector<256x2048xi1>, vector<256x2048xf32>
    %reduce_min3A_150 = arith.constant dense<0x7F800000> : vector<256xf32>
    %reduce_min3A_151 = vector.multi_reduction <minimumf>, %select_n3A_149, %reduce_min3A_150 [1] : vector<256x2048xf32> to vector<256xf32>
    %broadcast_in_dim3A_152 = vector.shape_cast %reduce_min3A_151 : vector<256xf32> to vector<256x1xf32>
    %le3A_153 = vector.broadcast %broadcast_in_dim3A_152 : vector<256x1xf32> to vector<256x2048xf32>
    %le3A_154 = arith.cmpf ole, %select_n3A_149, %le3A_153 : vector<256x2048xf32>
    %jit3A_155 = arith.constant 2048 : i32
    %broadcast_in_dim3A_156 = vector.broadcast %jit3A_155 : i32 to vector<256x2048xi32>
    %select_n3A_157 = arith.select %le3A_154, %iota3A, %broadcast_in_dim3A_156 : vector<256x2048xi1>, vector<256x2048xi32>
    %reduce_min3A_158 = arith.constant dense<2147483647> : vector<256xi32>
    %reduce_min3A_159 = vector.multi_reduction <minsi>, %select_n3A_157, %reduce_min3A_158 [1] : vector<256x2048xi32> to vector<256xi32>
    %broadcast_in_dim3A_160 = vector.shape_cast %reduce_min3A_159 : vector<256xi32> to vector<256x1xi32>
    %eq3A_161 = vector.broadcast %broadcast_in_dim3A_160 : vector<256x1xi32> to vector<256x2048xi32>
    %eq3A_162 = arith.cmpi eq, %iota3A, %eq3A_161 : vector<256x2048xi32>
    %jit3A_163 = arith.constant 3.400000e+38 : f32
    %broadcast_in_dim3A_164 = vector.broadcast %jit3A_163 : f32 to vector<256x2048xf32>
    %select_n3A_165 = arith.select %eq3A_162, %broadcast_in_dim3A_164, %select_n3A_149 : vector<256x2048xi1>, vector<256x2048xf32>
    %reduce_min3A_166 = arith.constant dense<0x7F800000> : vector<256xf32>
    %reduce_min3A_167 = vector.multi_reduction <minimumf>, %select_n3A_165, %reduce_min3A_166 [1] : vector<256x2048xf32> to vector<256xf32>
    %broadcast_in_dim3A_168 = vector.shape_cast %reduce_min3A_167 : vector<256xf32> to vector<256x1xf32>
    %le3A_169 = vector.broadcast %broadcast_in_dim3A_168 : vector<256x1xf32> to vector<256x2048xf32>
    %le3A_170 = arith.cmpf ole, %select_n3A_165, %le3A_169 : vector<256x2048xf32>
    %jit3A_171 = arith.constant 2048 : i32
    %broadcast_in_dim3A_172 = vector.broadcast %jit3A_171 : i32 to vector<256x2048xi32>
    %select_n3A_173 = arith.select %le3A_170, %iota3A, %broadcast_in_dim3A_172 : vector<256x2048xi1>, vector<256x2048xi32>
    %reduce_min3A_174 = arith.constant dense<2147483647> : vector<256xi32>
    %reduce_min3A_175 = vector.multi_reduction <minsi>, %select_n3A_173, %reduce_min3A_174 [1] : vector<256x2048xi32> to vector<256xi32>
    %broadcast_in_dim3A_176 = vector.shape_cast %reduce_min3A_175 : vector<256xi32> to vector<256x1xi32>
    %eq3A_177 = vector.broadcast %broadcast_in_dim3A_176 : vector<256x1xi32> to vector<256x2048xi32>
    %eq3A_178 = arith.cmpi eq, %iota3A, %eq3A_177 : vector<256x2048xi32>
    %jit3A_179 = arith.constant 3.400000e+38 : f32
    %broadcast_in_dim3A_180 = vector.broadcast %jit3A_179 : f32 to vector<256x2048xf32>
    %select_n3A_181 = arith.select %eq3A_178, %broadcast_in_dim3A_180, %select_n3A_165 : vector<256x2048xi1>, vector<256x2048xf32>
    %reduce_min3A_182 = arith.constant dense<0x7F800000> : vector<256xf32>
    %reduce_min3A_183 = vector.multi_reduction <minimumf>, %select_n3A_181, %reduce_min3A_182 [1] : vector<256x2048xf32> to vector<256xf32>
    %broadcast_in_dim3A_184 = vector.shape_cast %reduce_min3A_183 : vector<256xf32> to vector<256x1xf32>
    %le3A_185 = vector.broadcast %broadcast_in_dim3A_184 : vector<256x1xf32> to vector<256x2048xf32>
    %le3A_186 = arith.cmpf ole, %select_n3A_181, %le3A_185 : vector<256x2048xf32>
    %jit3A_187 = arith.constant 2048 : i32
    %broadcast_in_dim3A_188 = vector.broadcast %jit3A_187 : i32 to vector<256x2048xi32>
    %select_n3A_189 = arith.select %le3A_186, %iota3A, %broadcast_in_dim3A_188 : vector<256x2048xi1>, vector<256x2048xi32>
    %reduce_min3A_190 = arith.constant dense<2147483647> : vector<256xi32>
    %reduce_min3A_191 = vector.multi_reduction <minsi>, %select_n3A_189, %reduce_min3A_190 [1] : vector<256x2048xi32> to vector<256xi32>
    %broadcast_in_dim3A_192 = vector.shape_cast %reduce_min3A_191 : vector<256xi32> to vector<256x1xi32>
    %eq3A_193 = vector.broadcast %broadcast_in_dim3A_192 : vector<256x1xi32> to vector<256x2048xi32>
    %eq3A_194 = arith.cmpi eq, %iota3A, %eq3A_193 : vector<256x2048xi32>
    %jit3A_195 = arith.constant 3.400000e+38 : f32
    %broadcast_in_dim3A_196 = vector.broadcast %jit3A_195 : f32 to vector<256x2048xf32>
    %select_n3A_197 = arith.select %eq3A_194, %broadcast_in_dim3A_196, %select_n3A_181 : vector<256x2048xi1>, vector<256x2048xf32>
    %reduce_min3A_198 = arith.constant dense<0x7F800000> : vector<256xf32>
    %reduce_min3A_199 = vector.multi_reduction <minimumf>, %select_n3A_197, %reduce_min3A_198 [1] : vector<256x2048xf32> to vector<256xf32>
    %broadcast_in_dim3A_200 = vector.shape_cast %reduce_min3A_199 : vector<256xf32> to vector<256x1xf32>
    %le3A_201 = vector.broadcast %broadcast_in_dim3A_200 : vector<256x1xf32> to vector<256x2048xf32>
    %le3A_202 = arith.cmpf ole, %select_n3A_197, %le3A_201 : vector<256x2048xf32>
    %jit3A_203 = arith.constant 2048 : i32
    %broadcast_in_dim3A_204 = vector.broadcast %jit3A_203 : i32 to vector<256x2048xi32>
    %select_n3A_205 = arith.select %le3A_202, %iota3A, %broadcast_in_dim3A_204 : vector<256x2048xi1>, vector<256x2048xi32>
    %reduce_min3A_206 = arith.constant dense<2147483647> : vector<256xi32>
    %reduce_min3A_207 = vector.multi_reduction <minsi>, %select_n3A_205, %reduce_min3A_206 [1] : vector<256x2048xi32> to vector<256xi32>
    %broadcast_in_dim3A_208 = vector.shape_cast %reduce_min3A_207 : vector<256xi32> to vector<256x1xi32>
    %eq3A_209 = vector.broadcast %broadcast_in_dim3A_208 : vector<256x1xi32> to vector<256x2048xi32>
    %eq3A_210 = arith.cmpi eq, %iota3A, %eq3A_209 : vector<256x2048xi32>
    %jit3A_211 = arith.constant 3.400000e+38 : f32
    %broadcast_in_dim3A_212 = vector.broadcast %jit3A_211 : f32 to vector<256x2048xf32>
    %select_n3A_213 = arith.select %eq3A_210, %broadcast_in_dim3A_212, %select_n3A_197 : vector<256x2048xi1>, vector<256x2048xf32>
    %reduce_min3A_214 = arith.constant dense<0x7F800000> : vector<256xf32>
    %reduce_min3A_215 = vector.multi_reduction <minimumf>, %select_n3A_213, %reduce_min3A_214 [1] : vector<256x2048xf32> to vector<256xf32>
    %broadcast_in_dim3A_216 = vector.shape_cast %reduce_min3A_215 : vector<256xf32> to vector<256x1xf32>
    %le3A_217 = vector.broadcast %broadcast_in_dim3A_216 : vector<256x1xf32> to vector<256x2048xf32>
    %le3A_218 = arith.cmpf ole, %select_n3A_213, %le3A_217 : vector<256x2048xf32>
    %jit3A_219 = arith.constant 2048 : i32
    %broadcast_in_dim3A_220 = vector.broadcast %jit3A_219 : i32 to vector<256x2048xi32>
    %select_n3A_221 = arith.select %le3A_218, %iota3A, %broadcast_in_dim3A_220 : vector<256x2048xi1>, vector<256x2048xi32>
    %reduce_min3A_222 = arith.constant dense<2147483647> : vector<256xi32>
    %reduce_min3A_223 = vector.multi_reduction <minsi>, %select_n3A_221, %reduce_min3A_222 [1] : vector<256x2048xi32> to vector<256xi32>
    %broadcast_in_dim3A_224 = vector.shape_cast %reduce_min3A_223 : vector<256xi32> to vector<256x1xi32>
    %eq3A_225 = vector.broadcast %broadcast_in_dim3A_224 : vector<256x1xi32> to vector<256x2048xi32>
    %eq3A_226 = arith.cmpi eq, %iota3A, %eq3A_225 : vector<256x2048xi32>
    %jit3A_227 = arith.constant 3.400000e+38 : f32
    %broadcast_in_dim3A_228 = vector.broadcast %jit3A_227 : f32 to vector<256x2048xf32>
    %select_n3A_229 = arith.select %eq3A_226, %broadcast_in_dim3A_228, %select_n3A_213 : vector<256x2048xi1>, vector<256x2048xf32>
    %reduce_min3A_230 = arith.constant dense<0x7F800000> : vector<256xf32>
    %reduce_min3A_231 = vector.multi_reduction <minimumf>, %select_n3A_229, %reduce_min3A_230 [1] : vector<256x2048xf32> to vector<256xf32>
    %broadcast_in_dim3A_232 = vector.shape_cast %reduce_min3A_231 : vector<256xf32> to vector<256x1xf32>
    %le3A_233 = vector.broadcast %broadcast_in_dim3A_232 : vector<256x1xf32> to vector<256x2048xf32>
    %le3A_234 = arith.cmpf ole, %select_n3A_229, %le3A_233 : vector<256x2048xf32>
    %jit3A_235 = arith.constant 2048 : i32
    %broadcast_in_dim3A_236 = vector.broadcast %jit3A_235 : i32 to vector<256x2048xi32>
    %select_n3A_237 = arith.select %le3A_234, %iota3A, %broadcast_in_dim3A_236 : vector<256x2048xi1>, vector<256x2048xi32>
    %reduce_min3A_238 = arith.constant dense<2147483647> : vector<256xi32>
    %reduce_min3A_239 = vector.multi_reduction <minsi>, %select_n3A_237, %reduce_min3A_238 [1] : vector<256x2048xi32> to vector<256xi32>
    %broadcast_in_dim3A_240 = vector.shape_cast %reduce_min3A_239 : vector<256xi32> to vector<256x1xi32>
    %eq3A_241 = vector.broadcast %broadcast_in_dim3A_240 : vector<256x1xi32> to vector<256x2048xi32>
    %eq3A_242 = arith.cmpi eq, %iota3A, %eq3A_241 : vector<256x2048xi32>
    %jit3A_243 = arith.constant 3.400000e+38 : f32
    %broadcast_in_dim3A_244 = vector.broadcast %jit3A_243 : f32 to vector<256x2048xf32>
    %select_n3A_245 = arith.select %eq3A_242, %broadcast_in_dim3A_244, %select_n3A_229 : vector<256x2048xi1>, vector<256x2048xf32>
    %reduce_min3A_246 = arith.constant dense<0x7F800000> : vector<256xf32>
    %reduce_min3A_247 = vector.multi_reduction <minimumf>, %select_n3A_245, %reduce_min3A_246 [1] : vector<256x2048xf32> to vector<256xf32>
    %broadcast_in_dim3A_248 = vector.shape_cast %reduce_min3A_247 : vector<256xf32> to vector<256x1xf32>
    %le3A_249 = vector.broadcast %broadcast_in_dim3A_248 : vector<256x1xf32> to vector<256x2048xf32>
    %le3A_250 = arith.cmpf ole, %select_n3A_245, %le3A_249 : vector<256x2048xf32>
    %jit3A_251 = arith.constant 2048 : i32
    %broadcast_in_dim3A_252 = vector.broadcast %jit3A_251 : i32 to vector<256x2048xi32>
    %select_n3A_253 = arith.select %le3A_250, %iota3A, %broadcast_in_dim3A_252 : vector<256x2048xi1>, vector<256x2048xi32>
    %reduce_min3A_254 = arith.constant dense<2147483647> : vector<256xi32>
    %reduce_min3A_255 = vector.multi_reduction <minsi>, %select_n3A_253, %reduce_min3A_254 [1] : vector<256x2048xi32> to vector<256xi32>
    %broadcast_in_dim3A_256 = vector.shape_cast %reduce_min3A_255 : vector<256xi32> to vector<256x1xi32>
    %eq3A_257 = vector.broadcast %broadcast_in_dim3A_256 : vector<256x1xi32> to vector<256x2048xi32>
    %eq3A_258 = arith.cmpi eq, %iota3A, %eq3A_257 : vector<256x2048xi32>
    %jit3A_259 = arith.constant 3.400000e+38 : f32
    %broadcast_in_dim3A_260 = vector.broadcast %jit3A_259 : f32 to vector<256x2048xf32>
    %select_n3A_261 = arith.select %eq3A_258, %broadcast_in_dim3A_260, %select_n3A_245 : vector<256x2048xi1>, vector<256x2048xf32>
    %reduce_min3A_262 = arith.constant dense<0x7F800000> : vector<256xf32>
    %reduce_min3A_263 = vector.multi_reduction <minimumf>, %select_n3A_261, %reduce_min3A_262 [1] : vector<256x2048xf32> to vector<256xf32>
    %broadcast_in_dim3A_264 = vector.shape_cast %reduce_min3A_263 : vector<256xf32> to vector<256x1xf32>
    %le3A_265 = vector.broadcast %broadcast_in_dim3A_264 : vector<256x1xf32> to vector<256x2048xf32>
    %le3A_266 = arith.cmpf ole, %select_n3A_261, %le3A_265 : vector<256x2048xf32>
    %jit3A_267 = arith.constant 2048 : i32
    %broadcast_in_dim3A_268 = vector.broadcast %jit3A_267 : i32 to vector<256x2048xi32>
    %select_n3A_269 = arith.select %le3A_266, %iota3A, %broadcast_in_dim3A_268 : vector<256x2048xi1>, vector<256x2048xi32>
    %reduce_min3A_270 = arith.constant dense<2147483647> : vector<256xi32>
    %reduce_min3A_271 = vector.multi_reduction <minsi>, %select_n3A_269, %reduce_min3A_270 [1] : vector<256x2048xi32> to vector<256xi32>
    %broadcast_in_dim3A_272 = vector.shape_cast %reduce_min3A_271 : vector<256xi32> to vector<256x1xi32>
    %eq3A_273 = vector.broadcast %broadcast_in_dim3A_272 : vector<256x1xi32> to vector<256x2048xi32>
    %eq3A_274 = arith.cmpi eq, %iota3A, %eq3A_273 : vector<256x2048xi32>
    %jit3A_275 = arith.constant 3.400000e+38 : f32
    %broadcast_in_dim3A_276 = vector.broadcast %jit3A_275 : f32 to vector<256x2048xf32>
    %select_n3A_277 = arith.select %eq3A_274, %broadcast_in_dim3A_276, %select_n3A_261 : vector<256x2048xi1>, vector<256x2048xf32>
    %reduce_min3A_278 = arith.constant dense<0x7F800000> : vector<256xf32>
    %reduce_min3A_279 = vector.multi_reduction <minimumf>, %select_n3A_277, %reduce_min3A_278 [1] : vector<256x2048xf32> to vector<256xf32>
    %broadcast_in_dim3A_280 = vector.shape_cast %reduce_min3A_279 : vector<256xf32> to vector<256x1xf32>
    %le3A_281 = vector.broadcast %broadcast_in_dim3A_280 : vector<256x1xf32> to vector<256x2048xf32>
    %le3A_282 = arith.cmpf ole, %select_n3A_277, %le3A_281 : vector<256x2048xf32>
    %jit3A_283 = arith.constant 2048 : i32
    %broadcast_in_dim3A_284 = vector.broadcast %jit3A_283 : i32 to vector<256x2048xi32>
    %select_n3A_285 = arith.select %le3A_282, %iota3A, %broadcast_in_dim3A_284 : vector<256x2048xi1>, vector<256x2048xi32>
    %reduce_min3A_286 = arith.constant dense<2147483647> : vector<256xi32>
    %reduce_min3A_287 = vector.multi_reduction <minsi>, %select_n3A_285, %reduce_min3A_286 [1] : vector<256x2048xi32> to vector<256xi32>
    %broadcast_in_dim3A_288 = vector.shape_cast %reduce_min3A_287 : vector<256xi32> to vector<256x1xi32>
    %concatenate3A = tpu.concatenate %broadcast_in_dim3A_48, %broadcast_in_dim3A_64, %broadcast_in_dim3A_80, %broadcast_in_dim3A_96, %broadcast_in_dim3A_112, %broadcast_in_dim3A_128, %broadcast_in_dim3A_144, %broadcast_in_dim3A_160, %broadcast_in_dim3A_176, %broadcast_in_dim3A_192, %broadcast_in_dim3A_208, %broadcast_in_dim3A_224, %broadcast_in_dim3A_240, %broadcast_in_dim3A_256, %broadcast_in_dim3A_272, %broadcast_in_dim3A_288 in 1 : vector<256x1xi32>, vector<256x1xi32>, vector<256x1xi32>, vector<256x1xi32>, vector<256x1xi32>, vector<256x1xi32>, vector<256x1xi32>, vector<256x1xi32>, vector<256x1xi32>, vector<256x1xi32>, vector<256x1xi32>, vector<256x1xi32>, vector<256x1xi32>, vector<256x1xi32>, vector<256x1xi32>, vector<256x1xi32> -> vector<256x16xi32>
    %mul3A_289 = arith.constant 2048 : i32
    %mul3A_290 = arith.muli %arg0, %mul3A_289 : i32
    %add3A_291 = vector.broadcast %mul3A_290 : i32 to vector<256x16xi32>
    %add3A_292 = arith.addi %concatenate3A, %add3A_291 : vector<256x16xi32>
    %swap3A = arith.constant 0 : index
    %swap3A_293 = arith.constant 0 : index
    %swap3A_294 = arith.constant 0 : index
    %swap3A_295 = vector.load %arg5[%swap3A, %swap3A_293, %swap3A_294] : memref<1x256x16xi32, #tpu.memory_space<vmem>>, vector<1x256x16xi32>
    %swap3A_296 = vector.shape_cast %swap3A_295 : vector<1x256x16xi32> to vector<256x16xi32>
    %swap3A_297 = vector.shape_cast %add3A_292 : vector<256x16xi32> to vector<1x256x16xi32>
    tpu.vector_store %arg5[%swap3A, %swap3A_293, %swap3A_294], %swap3A_297 {strides = array<i32>} : memref<1x256x16xi32, #tpu.memory_space<vmem>>, vector<1x256x16xi32>,
    %get3A_298 = arith.constant 0 : index
    %get3A_299 = arith.constant 0 : index
    %get3A_300 = arith.constant 0 : index
    %get3A_301 = vector.load %arg4[%get3A_298, %get3A_299, %get3A_300] : memref<1x256x128xf32, #tpu.memory_space<vmem>>, vector<1x256x128xf32>
    %get3A_302 = vector.shape_cast %get3A_301 : vector<1x256x128xf32> to vector<256x128xf32>
    %broadcast_in_dim3A_303 = arith.constant 0.000000e+00 : f32
    %broadcast_in_dim3A_304 = vector.broadcast %broadcast_in_dim3A_303 : f32 to vector<256x125xf32>
    %concatenate3A_305 = tpu.concatenate %get3A_302, %get3A_3, %broadcast_in_dim3A_304 in 1 : vector<256x128xf32>, vector<256x3xf32>, vector<256x125xf32> -> vector<256x256xf32>
    %swap3A_306 = arith.constant 0 : index
    %swap3A_307 = arith.constant 0 : index
    %swap3A_308 = arith.constant 0 : index
    %swap3A_309 = vector.load %arg6[%swap3A_306, %swap3A_307, %swap3A_308] : memref<1x256x256xf32, #tpu.memory_space<vmem>>, vector<1x256x256xf32>
    %swap3A_310 = vector.shape_cast %swap3A_309 : vector<1x256x256xf32> to vector<256x256xf32>
    %swap3A_311 = vector.shape_cast %concatenate3A_305 : vector<256x256xf32> to vector<1x256x256xf32>
    tpu.vector_store %arg6[%swap3A_306, %swap3A_307, %swap3A_308], %swap3A_311 {strides = array<i32>} : memref<1x256x256xf32, #tpu.memory_space<vmem>>, vector<1x256x256xf32>,
    return
  }
  func.func @transform_0(%arg0: i32, %arg1: i32) -> (i32, i32, i32) {
    %c0_i32 = arith.constant 0 : i32
    %c0_i32_0 = arith.constant 0 : i32
    return %arg0, %arg1, %c0_i32 : i32, i32, i32
  }
  func.func @transform_1(%arg0: i32, %arg1: i32) -> (i32, i32, i32) {
    %c0_i32 = arith.constant 0 : i32
    %c0_i32_0 = arith.constant 0 : i32
    %c0_i32_1 = arith.constant 0 : i32
    return %arg0, %c0_i32, %c0_i32_0 : i32, i32, i32
  }
  func.func @transform_2(%arg0: i32, %arg1: i32) -> (i32, i32, i32) {
    %c0_i32 = arith.constant 0 : i32
    %c0_i32_0 = arith.constant 0 : i32
    return %arg0, %arg1, %c0_i32 : i32, i32, i32
  }
  func.func @transform_3(%arg0: i32, %arg1: i32) -> (i32, i32, i32) {
    %c0_i32 = arith.constant 0 : i32
    %c0_i32_0 = arith.constant 0 : i32
    return %arg0, %arg1, %c0_i32 : i32, i32, i32
  }
  func.func @transform_4(%arg0: i32, %arg1: i32) -> (i32, i32, i32) {
    %c0_i32 = arith.constant 0 : i32
    %c0_i32_0 = arith.constant 0 : i32
    return %arg0, %arg1, %c0_i32 : i32, i32, i32
  }
}

module attributes {stable_mosaic.version = 14 : i64} {
  func.func @_edge_node_body(%arg0: i32, %arg1: i32, %arg2: memref<1x4096x256xf32, #tpu.memory_space<vmem>>, %arg3: memref<1x256x128xf32, #tpu.memory_space<vmem>>, %arg4: memref<1x256x3xf32, #tpu.memory_space<vmem>>, %arg5: memref<257x64xf32, #tpu.memory_space<vmem>>, %arg6: memref<64xf32, #tpu.memory_space<vmem>>, %arg7: memref<64x64xf32, #tpu.memory_space<vmem>>, %arg8: memref<64xf32, #tpu.memory_space<vmem>>, %arg9: memref<64x1xf32, #tpu.memory_space<vmem>>, %arg10: memref<1xf32, #tpu.memory_space<vmem>>, %arg11: memref<192x64xf32, #tpu.memory_space<vmem>>, %arg12: memref<64xf32, #tpu.memory_space<vmem>>, %arg13: memref<64x128xf32, #tpu.memory_space<vmem>>, %arg14: memref<128xf32, #tpu.memory_space<vmem>>, %arg15: memref<1x256x128xf32, #tpu.memory_space<vmem>>, %arg16: memref<1x256x3xf32, #tpu.memory_space<vmem>>) attributes {dimension_semantics = [#tpu.dimension_semantics<arbitrary>, #tpu.dimension_semantics<arbitrary>], iteration_bounds = array<i64: 2, 8>, scalar_prefetch = 0 : i64, scratch_operands = 0 : i64, tpu.core_type = #tpu.core_type<tc>, window_params = [{transform_indices = @transform_0, window_bounds = array<i64: 1, 4096, 256>}, {transform_indices = @transform_1, window_bounds = array<i64: 1, 256, 128>}, {transform_indices = @transform_2, window_bounds = array<i64: 1, 256, 3>}, {pipeline_mode = #tpu.pipeline_mode<synchronous>, transform_indices = @transform_3, window_bounds = array<i64: 257, 64>}, {pipeline_mode = #tpu.pipeline_mode<synchronous>, transform_indices = @transform_4, window_bounds = array<i64: 64>}, {pipeline_mode = #tpu.pipeline_mode<synchronous>, transform_indices = @transform_5, window_bounds = array<i64: 64, 64>}, {pipeline_mode = #tpu.pipeline_mode<synchronous>, transform_indices = @transform_6, window_bounds = array<i64: 64>}, {pipeline_mode = #tpu.pipeline_mode<synchronous>, transform_indices = @transform_7, window_bounds = array<i64: 64, 1>}, {pipeline_mode = #tpu.pipeline_mode<synchronous>, transform_indices = @transform_8, window_bounds = array<i64: 1>}, {pipeline_mode = #tpu.pipeline_mode<synchronous>, transform_indices = @transform_9, window_bounds = array<i64: 192, 64>}, {pipeline_mode = #tpu.pipeline_mode<synchronous>, transform_indices = @transform_10, window_bounds = array<i64: 64>}, {pipeline_mode = #tpu.pipeline_mode<synchronous>, transform_indices = @transform_11, window_bounds = array<i64: 64, 128>}, {pipeline_mode = #tpu.pipeline_mode<synchronous>, transform_indices = @transform_12, window_bounds = array<i64: 128>}, {transform_indices = @transform_13, window_bounds = array<i64: 1, 256, 128>}, {transform_indices = @transform_14, window_bounds = array<i64: 1, 256, 3>}]} {
    %get3A = arith.constant 0 : index
    %get3A_0 = arith.constant 0 : index
    %get3A_1 = arith.constant 0 : index
    %get3A_2 = vector.load %arg2[%get3A, %get3A_0, %get3A_1] : memref<1x4096x256xf32, #tpu.memory_space<vmem>>, vector<1x4096x256xf32>
    %get3A_3 = vector.shape_cast %get3A_2 : vector<1x4096x256xf32> to vector<4096x256xf32>
    %slice3A = vector.extract_strided_slice %get3A_3 {offsets = [0, 0], sizes = [4096, 128], strides = [1, 1]} : vector<4096x256xf32> to vector<4096x128xf32>
    %slice3A_4 = vector.extract_strided_slice %get3A_3 {offsets = [0, 128], sizes = [4096, 3], strides = [1, 1]} : vector<4096x256xf32> to vector<4096x3xf32>
    %get3A_5 = arith.constant 0 : index
    %get3A_6 = arith.constant 0 : index
    %get3A_7 = arith.constant 0 : index
    %get3A_8 = vector.load %arg4[%get3A_5, %get3A_6, %get3A_7] : memref<1x256x3xf32, #tpu.memory_space<vmem>>, vector<1x256x3xf32>
    %get3A_9 = vector.shape_cast %get3A_8 : vector<1x256x3xf32> to vector<256x3xf32>
    %get3A_10 = arith.constant 0 : index
    %get3A_11 = arith.constant 0 : index
    %get3A_12 = arith.constant 0 : index
    %get3A_13 = vector.load %arg3[%get3A_10, %get3A_11, %get3A_12] : memref<1x256x128xf32, #tpu.memory_space<vmem>>, vector<1x256x128xf32>
    %get3A_14 = vector.shape_cast %get3A_13 : vector<1x256x128xf32> to vector<256x128xf32>
    %broadcast_in_dim3A = vector.shape_cast %get3A_14 : vector<256x128xf32> to vector<256x1x128xf32>
    %broadcast_in_dim3A_15 = vector.shape_cast %broadcast_in_dim3A : vector<256x1x128xf32> to vector<256x1x128xf32>
    %broadcast_in_dim3A_16 = vector.broadcast %broadcast_in_dim3A_15 : vector<256x1x128xf32> to vector<256x16x128xf32>
    %reshape3A = vector.shape_cast %broadcast_in_dim3A_16 : vector<256x16x128xf32> to vector<4096x128xf32>
    %broadcast_in_dim3A_17 = vector.shape_cast %get3A_9 : vector<256x3xf32> to vector<256x1x3xf32>
    %broadcast_in_dim3A_18 = vector.shape_cast %broadcast_in_dim3A_17 : vector<256x1x3xf32> to vector<256x1x3xf32>
    %broadcast_in_dim3A_19 = vector.broadcast %broadcast_in_dim3A_18 : vector<256x1x3xf32> to vector<256x16x3xf32>
    %reshape3A_20 = vector.shape_cast %broadcast_in_dim3A_19 : vector<256x16x3xf32> to vector<4096x3xf32>
    %sub3A = arith.subf %reshape3A_20, %slice3A_4 : vector<4096x3xf32>
    %mul3A = arith.mulf %sub3A, %sub3A : vector<4096x3xf32>
    %reduce_sum3A = arith.constant dense<0.000000e+00> : vector<4096xf32>
    %reduce_sum3A_21 = vector.multi_reduction <add>, %mul3A, %reduce_sum3A [1] : vector<4096x3xf32> to vector<4096xf32>
    %broadcast_in_dim3A_22 = vector.shape_cast %reduce_sum3A_21 : vector<4096xf32> to vector<4096x1xf32>
    %concatenate3A = tpu.concatenate %reshape3A, %slice3A, %broadcast_in_dim3A_22 in 1 : vector<4096x128xf32>, vector<4096x128xf32>, vector<4096x1xf32> -> vector<4096x257xf32>
    %get3A_23 = arith.constant 0 : index
    %get3A_24 = arith.constant 0 : index
    %get3A_25 = vector.load %arg5[%get3A_23, %get3A_24] : memref<257x64xf32, #tpu.memory_space<vmem>>, vector<257x64xf32>
    %dot_general3A = arith.constant dense<0.000000e+00> : vector<4096x64xf32>
    %dot_general3A_26 = tpu.matmul %concatenate3A, %get3A_25, %dot_general3A {dimension_numbers = #tpu.dot_dimension_numbers<[1], [0], [0], [1], [0, 0, 1, 1], [], []>, transpose_lhs_hint = false} : vector<4096x257xf32>, vector<257x64xf32>, vector<4096x64xf32> -> vector<4096x64xf32>
    %get3A_27 = arith.constant 0 : index
    %get3A_28 = vector.load %arg6[%get3A_27] : memref<64xf32, #tpu.memory_space<vmem>>, vector<64xf32>
    %broadcast_in_dim3A_29 = vector.shape_cast %get3A_28 : vector<64xf32> to vector<1x64xf32>
    %add3A = vector.broadcast %broadcast_in_dim3A_29 : vector<1x64xf32> to vector<4096x64xf32>
    %add3A_30 = arith.addf %dot_general3A_26, %add3A : vector<4096x64xf32>
    %neg3A = arith.constant 0.000000e+00 : f32
    %neg3A_31 = vector.broadcast %neg3A : f32 to vector<4096x64xf32>
    %neg3A_32 = arith.subf %neg3A_31, %add3A_30 : vector<4096x64xf32>
    %exp3A = math.exp %neg3A_32 : vector<4096x64xf32>
    %add3A_33 = arith.constant 1.000000e+00 : f32
    %add3A_34 = vector.broadcast %add3A_33 : f32 to vector<4096x64xf32>
    %add3A_35 = arith.addf %add3A_34, %exp3A : vector<4096x64xf32>
    %div3A = arith.constant 1.000000e+00 : f32
    %div3A_36 = vector.broadcast %div3A : f32 to vector<4096x64xf32>
    %div3A_37 = arith.divf %div3A_36, %add3A_35 : vector<4096x64xf32>
    %mul3A_38 = arith.mulf %add3A_30, %div3A_37 : vector<4096x64xf32>
    %get3A_39 = arith.constant 0 : index
    %get3A_40 = arith.constant 0 : index
    %get3A_41 = vector.load %arg7[%get3A_39, %get3A_40] : memref<64x64xf32, #tpu.memory_space<vmem>>, vector<64x64xf32>
    %dot_general3A_42 = arith.constant dense<0.000000e+00> : vector<4096x64xf32>
    %dot_general3A_43 = tpu.matmul %mul3A_38, %get3A_41, %dot_general3A_42 {dimension_numbers = #tpu.dot_dimension_numbers<[1], [0], [0], [1], [0, 0, 1, 1], [], []>, transpose_lhs_hint = false} : vector<4096x64xf32>, vector<64x64xf32>, vector<4096x64xf32> -> vector<4096x64xf32>
    %get3A_44 = arith.constant 0 : index
    %get3A_45 = vector.load %arg8[%get3A_44] : memref<64xf32, #tpu.memory_space<vmem>>, vector<64xf32>
    %broadcast_in_dim3A_46 = vector.shape_cast %get3A_45 : vector<64xf32> to vector<1x64xf32>
    %add3A_47 = vector.broadcast %broadcast_in_dim3A_46 : vector<1x64xf32> to vector<4096x64xf32>
    %add3A_48 = arith.addf %dot_general3A_43, %add3A_47 : vector<4096x64xf32>
    %neg3A_49 = arith.constant 0.000000e+00 : f32
    %neg3A_50 = vector.broadcast %neg3A_49 : f32 to vector<4096x64xf32>
    %neg3A_51 = arith.subf %neg3A_50, %add3A_48 : vector<4096x64xf32>
    %exp3A_52 = math.exp %neg3A_51 : vector<4096x64xf32>
    %add3A_53 = arith.constant 1.000000e+00 : f32
    %add3A_54 = vector.broadcast %add3A_53 : f32 to vector<4096x64xf32>
    %add3A_55 = arith.addf %add3A_54, %exp3A_52 : vector<4096x64xf32>
    %div3A_56 = arith.constant 1.000000e+00 : f32
    %div3A_57 = vector.broadcast %div3A_56 : f32 to vector<4096x64xf32>
    %div3A_58 = arith.divf %div3A_57, %add3A_55 : vector<4096x64xf32>
    %mul3A_59 = arith.mulf %add3A_48, %div3A_58 : vector<4096x64xf32>
    %get3A_60 = arith.constant 0 : index
    %get3A_61 = arith.constant 0 : index
    %get3A_62 = vector.load %arg9[%get3A_60, %get3A_61] : memref<64x1xf32, #tpu.memory_space<vmem>>, vector<64x1xf32>
    %dot_general3A_63 = arith.constant dense<0.000000e+00> : vector<4096x1xf32>
    %dot_general3A_64 = tpu.matmul %mul3A_59, %get3A_62, %dot_general3A_63 {dimension_numbers = #tpu.dot_dimension_numbers<[1], [0], [0], [1], [0, 0, 1, 1], [], []>, transpose_lhs_hint = false} : vector<4096x64xf32>, vector<64x1xf32>, vector<4096x1xf32> -> vector<4096x1xf32>
    %get3A_65 = arith.constant 0 : index
    %get3A_66 = vector.load %arg10[%get3A_65] : memref<1xf32, #tpu.memory_space<vmem>>, vector<1xf32>
    %get3A_67 = vector.extract %get3A_66[0] : f32 from vector<1xf32>
    %add3A_68 = vector.broadcast %get3A_67 : f32 to vector<4096x1xf32>
    %add3A_69 = arith.addf %dot_general3A_64, %add3A_68 : vector<4096x1xf32>
    %sqrt3A = math.sqrt %broadcast_in_dim3A_22 : vector<4096x1xf32>
    %add3A_70 = arith.constant 1.000000e+00 : f32
    %add3A_71 = vector.broadcast %add3A_70 : f32 to vector<4096x1xf32>
    %add3A_72 = arith.addf %sqrt3A, %add3A_71 : vector<4096x1xf32>
    %div3A_73 = vector.broadcast %add3A_72 : vector<4096x1xf32> to vector<4096x3xf32>
    %div3A_74 = arith.divf %sub3A, %div3A_73 : vector<4096x3xf32>
    %mul3A_75 = vector.broadcast %add3A_69 : vector<4096x1xf32> to vector<4096x3xf32>
    %mul3A_76 = arith.mulf %div3A_74, %mul3A_75 : vector<4096x3xf32>
    %reshape3A_77 = vector.shape_cast %mul3A_76 : vector<4096x3xf32> to vector<256x16x3xf32>
    %slice3A_78 = vector.extract_strided_slice %reshape3A_77 {offsets = [0, 0, 0], sizes = [256, 1, 3], strides = [1, 1, 1]} : vector<256x16x3xf32> to vector<256x1x3xf32>
    %squeeze3A = vector.shape_cast %slice3A_78 : vector<256x1x3xf32> to vector<256x3xf32>
    %slice3A_79 = vector.extract_strided_slice %reshape3A_77 {offsets = [0, 1, 0], sizes = [256, 1, 3], strides = [1, 1, 1]} : vector<256x16x3xf32> to vector<256x1x3xf32>
    %squeeze3A_80 = vector.shape_cast %slice3A_79 : vector<256x1x3xf32> to vector<256x3xf32>
    %add3A_81 = arith.addf %squeeze3A, %squeeze3A_80 : vector<256x3xf32>
    %slice3A_82 = vector.extract_strided_slice %reshape3A_77 {offsets = [0, 2, 0], sizes = [256, 1, 3], strides = [1, 1, 1]} : vector<256x16x3xf32> to vector<256x1x3xf32>
    %squeeze3A_83 = vector.shape_cast %slice3A_82 : vector<256x1x3xf32> to vector<256x3xf32>
    %add3A_84 = arith.addf %add3A_81, %squeeze3A_83 : vector<256x3xf32>
    %slice3A_85 = vector.extract_strided_slice %reshape3A_77 {offsets = [0, 3, 0], sizes = [256, 1, 3], strides = [1, 1, 1]} : vector<256x16x3xf32> to vector<256x1x3xf32>
    %squeeze3A_86 = vector.shape_cast %slice3A_85 : vector<256x1x3xf32> to vector<256x3xf32>
    %add3A_87 = arith.addf %add3A_84, %squeeze3A_86 : vector<256x3xf32>
    %slice3A_88 = vector.extract_strided_slice %reshape3A_77 {offsets = [0, 4, 0], sizes = [256, 1, 3], strides = [1, 1, 1]} : vector<256x16x3xf32> to vector<256x1x3xf32>
    %squeeze3A_89 = vector.shape_cast %slice3A_88 : vector<256x1x3xf32> to vector<256x3xf32>
    %add3A_90 = arith.addf %add3A_87, %squeeze3A_89 : vector<256x3xf32>
    %slice3A_91 = vector.extract_strided_slice %reshape3A_77 {offsets = [0, 5, 0], sizes = [256, 1, 3], strides = [1, 1, 1]} : vector<256x16x3xf32> to vector<256x1x3xf32>
    %squeeze3A_92 = vector.shape_cast %slice3A_91 : vector<256x1x3xf32> to vector<256x3xf32>
    %add3A_93 = arith.addf %add3A_90, %squeeze3A_92 : vector<256x3xf32>
    %slice3A_94 = vector.extract_strided_slice %reshape3A_77 {offsets = [0, 6, 0], sizes = [256, 1, 3], strides = [1, 1, 1]} : vector<256x16x3xf32> to vector<256x1x3xf32>
    %squeeze3A_95 = vector.shape_cast %slice3A_94 : vector<256x1x3xf32> to vector<256x3xf32>
    %add3A_96 = arith.addf %add3A_93, %squeeze3A_95 : vector<256x3xf32>
    %slice3A_97 = vector.extract_strided_slice %reshape3A_77 {offsets = [0, 7, 0], sizes = [256, 1, 3], strides = [1, 1, 1]} : vector<256x16x3xf32> to vector<256x1x3xf32>
    %squeeze3A_98 = vector.shape_cast %slice3A_97 : vector<256x1x3xf32> to vector<256x3xf32>
    %add3A_99 = arith.addf %add3A_96, %squeeze3A_98 : vector<256x3xf32>
    %slice3A_100 = vector.extract_strided_slice %reshape3A_77 {offsets = [0, 8, 0], sizes = [256, 1, 3], strides = [1, 1, 1]} : vector<256x16x3xf32> to vector<256x1x3xf32>
    %squeeze3A_101 = vector.shape_cast %slice3A_100 : vector<256x1x3xf32> to vector<256x3xf32>
    %add3A_102 = arith.addf %add3A_99, %squeeze3A_101 : vector<256x3xf32>
    %slice3A_103 = vector.extract_strided_slice %reshape3A_77 {offsets = [0, 9, 0], sizes = [256, 1, 3], strides = [1, 1, 1]} : vector<256x16x3xf32> to vector<256x1x3xf32>
    %squeeze3A_104 = vector.shape_cast %slice3A_103 : vector<256x1x3xf32> to vector<256x3xf32>
    %add3A_105 = arith.addf %add3A_102, %squeeze3A_104 : vector<256x3xf32>
    %slice3A_106 = vector.extract_strided_slice %reshape3A_77 {offsets = [0, 10, 0], sizes = [256, 1, 3], strides = [1, 1, 1]} : vector<256x16x3xf32> to vector<256x1x3xf32>
    %squeeze3A_107 = vector.shape_cast %slice3A_106 : vector<256x1x3xf32> to vector<256x3xf32>
    %add3A_108 = arith.addf %add3A_105, %squeeze3A_107 : vector<256x3xf32>
    %slice3A_109 = vector.extract_strided_slice %reshape3A_77 {offsets = [0, 11, 0], sizes = [256, 1, 3], strides = [1, 1, 1]} : vector<256x16x3xf32> to vector<256x1x3xf32>
    %squeeze3A_110 = vector.shape_cast %slice3A_109 : vector<256x1x3xf32> to vector<256x3xf32>
    %add3A_111 = arith.addf %add3A_108, %squeeze3A_110 : vector<256x3xf32>
    %slice3A_112 = vector.extract_strided_slice %reshape3A_77 {offsets = [0, 12, 0], sizes = [256, 1, 3], strides = [1, 1, 1]} : vector<256x16x3xf32> to vector<256x1x3xf32>
    %squeeze3A_113 = vector.shape_cast %slice3A_112 : vector<256x1x3xf32> to vector<256x3xf32>
    %add3A_114 = arith.addf %add3A_111, %squeeze3A_113 : vector<256x3xf32>
    %slice3A_115 = vector.extract_strided_slice %reshape3A_77 {offsets = [0, 13, 0], sizes = [256, 1, 3], strides = [1, 1, 1]} : vector<256x16x3xf32> to vector<256x1x3xf32>
    %squeeze3A_116 = vector.shape_cast %slice3A_115 : vector<256x1x3xf32> to vector<256x3xf32>
    %add3A_117 = arith.addf %add3A_114, %squeeze3A_116 : vector<256x3xf32>
    %slice3A_118 = vector.extract_strided_slice %reshape3A_77 {offsets = [0, 14, 0], sizes = [256, 1, 3], strides = [1, 1, 1]} : vector<256x16x3xf32> to vector<256x1x3xf32>
    %squeeze3A_119 = vector.shape_cast %slice3A_118 : vector<256x1x3xf32> to vector<256x3xf32>
    %add3A_120 = arith.addf %add3A_117, %squeeze3A_119 : vector<256x3xf32>
    %slice3A_121 = vector.extract_strided_slice %reshape3A_77 {offsets = [0, 15, 0], sizes = [256, 1, 3], strides = [1, 1, 1]} : vector<256x16x3xf32> to vector<256x1x3xf32>
    %squeeze3A_122 = vector.shape_cast %slice3A_121 : vector<256x1x3xf32> to vector<256x3xf32>
    %add3A_123 = arith.addf %add3A_120, %squeeze3A_122 : vector<256x3xf32>
    %mul3A_124 = arith.constant 6.250000e-02 : f32
    %mul3A_125 = vector.broadcast %mul3A_124 : f32 to vector<256x3xf32>
    %mul3A_126 = arith.mulf %add3A_123, %mul3A_125 : vector<256x3xf32>
    %add3A_127 = arith.addf %get3A_9, %mul3A_126 : vector<256x3xf32>
    %swap3A = arith.constant 0 : index
    %swap3A_128 = arith.constant 0 : index
    %swap3A_129 = arith.constant 0 : index
    %swap3A_130 = vector.load %arg16[%swap3A, %swap3A_128, %swap3A_129] : memref<1x256x3xf32, #tpu.memory_space<vmem>>, vector<1x256x3xf32>
    %swap3A_131 = vector.shape_cast %swap3A_130 : vector<1x256x3xf32> to vector<256x3xf32>
    %swap3A_132 = vector.shape_cast %add3A_127 : vector<256x3xf32> to vector<1x256x3xf32>
    tpu.vector_store %arg16[%swap3A, %swap3A_128, %swap3A_129], %swap3A_132 {strides = array<i32>} : memref<1x256x3xf32, #tpu.memory_space<vmem>>, vector<1x256x3xf32>,
    %reshape3A_133 = vector.shape_cast %mul3A_59 : vector<4096x64xf32> to vector<256x16x64xf32>
    %slice3A_134 = vector.extract_strided_slice %reshape3A_133 {offsets = [0, 0, 0], sizes = [256, 1, 64], strides = [1, 1, 1]} : vector<256x16x64xf32> to vector<256x1x64xf32>
    %squeeze3A_135 = vector.shape_cast %slice3A_134 : vector<256x1x64xf32> to vector<256x64xf32>
    %slice3A_136 = vector.extract_strided_slice %reshape3A_133 {offsets = [0, 1, 0], sizes = [256, 1, 64], strides = [1, 1, 1]} : vector<256x16x64xf32> to vector<256x1x64xf32>
    %squeeze3A_137 = vector.shape_cast %slice3A_136 : vector<256x1x64xf32> to vector<256x64xf32>
    %add3A_138 = arith.addf %squeeze3A_135, %squeeze3A_137 : vector<256x64xf32>
    %slice3A_139 = vector.extract_strided_slice %reshape3A_133 {offsets = [0, 2, 0], sizes = [256, 1, 64], strides = [1, 1, 1]} : vector<256x16x64xf32> to vector<256x1x64xf32>
    %squeeze3A_140 = vector.shape_cast %slice3A_139 : vector<256x1x64xf32> to vector<256x64xf32>
    %add3A_141 = arith.addf %add3A_138, %squeeze3A_140 : vector<256x64xf32>
    %slice3A_142 = vector.extract_strided_slice %reshape3A_133 {offsets = [0, 3, 0], sizes = [256, 1, 64], strides = [1, 1, 1]} : vector<256x16x64xf32> to vector<256x1x64xf32>
    %squeeze3A_143 = vector.shape_cast %slice3A_142 : vector<256x1x64xf32> to vector<256x64xf32>
    %add3A_144 = arith.addf %add3A_141, %squeeze3A_143 : vector<256x64xf32>
    %slice3A_145 = vector.extract_strided_slice %reshape3A_133 {offsets = [0, 4, 0], sizes = [256, 1, 64], strides = [1, 1, 1]} : vector<256x16x64xf32> to vector<256x1x64xf32>
    %squeeze3A_146 = vector.shape_cast %slice3A_145 : vector<256x1x64xf32> to vector<256x64xf32>
    %add3A_147 = arith.addf %add3A_144, %squeeze3A_146 : vector<256x64xf32>
    %slice3A_148 = vector.extract_strided_slice %reshape3A_133 {offsets = [0, 5, 0], sizes = [256, 1, 64], strides = [1, 1, 1]} : vector<256x16x64xf32> to vector<256x1x64xf32>
    %squeeze3A_149 = vector.shape_cast %slice3A_148 : vector<256x1x64xf32> to vector<256x64xf32>
    %add3A_150 = arith.addf %add3A_147, %squeeze3A_149 : vector<256x64xf32>
    %slice3A_151 = vector.extract_strided_slice %reshape3A_133 {offsets = [0, 6, 0], sizes = [256, 1, 64], strides = [1, 1, 1]} : vector<256x16x64xf32> to vector<256x1x64xf32>
    %squeeze3A_152 = vector.shape_cast %slice3A_151 : vector<256x1x64xf32> to vector<256x64xf32>
    %add3A_153 = arith.addf %add3A_150, %squeeze3A_152 : vector<256x64xf32>
    %slice3A_154 = vector.extract_strided_slice %reshape3A_133 {offsets = [0, 7, 0], sizes = [256, 1, 64], strides = [1, 1, 1]} : vector<256x16x64xf32> to vector<256x1x64xf32>
    %squeeze3A_155 = vector.shape_cast %slice3A_154 : vector<256x1x64xf32> to vector<256x64xf32>
    %add3A_156 = arith.addf %add3A_153, %squeeze3A_155 : vector<256x64xf32>
    %slice3A_157 = vector.extract_strided_slice %reshape3A_133 {offsets = [0, 8, 0], sizes = [256, 1, 64], strides = [1, 1, 1]} : vector<256x16x64xf32> to vector<256x1x64xf32>
    %squeeze3A_158 = vector.shape_cast %slice3A_157 : vector<256x1x64xf32> to vector<256x64xf32>
    %add3A_159 = arith.addf %add3A_156, %squeeze3A_158 : vector<256x64xf32>
    %slice3A_160 = vector.extract_strided_slice %reshape3A_133 {offsets = [0, 9, 0], sizes = [256, 1, 64], strides = [1, 1, 1]} : vector<256x16x64xf32> to vector<256x1x64xf32>
    %squeeze3A_161 = vector.shape_cast %slice3A_160 : vector<256x1x64xf32> to vector<256x64xf32>
    %add3A_162 = arith.addf %add3A_159, %squeeze3A_161 : vector<256x64xf32>
    %slice3A_163 = vector.extract_strided_slice %reshape3A_133 {offsets = [0, 10, 0], sizes = [256, 1, 64], strides = [1, 1, 1]} : vector<256x16x64xf32> to vector<256x1x64xf32>
    %squeeze3A_164 = vector.shape_cast %slice3A_163 : vector<256x1x64xf32> to vector<256x64xf32>
    %add3A_165 = arith.addf %add3A_162, %squeeze3A_164 : vector<256x64xf32>
    %slice3A_166 = vector.extract_strided_slice %reshape3A_133 {offsets = [0, 11, 0], sizes = [256, 1, 64], strides = [1, 1, 1]} : vector<256x16x64xf32> to vector<256x1x64xf32>
    %squeeze3A_167 = vector.shape_cast %slice3A_166 : vector<256x1x64xf32> to vector<256x64xf32>
    %add3A_168 = arith.addf %add3A_165, %squeeze3A_167 : vector<256x64xf32>
    %slice3A_169 = vector.extract_strided_slice %reshape3A_133 {offsets = [0, 12, 0], sizes = [256, 1, 64], strides = [1, 1, 1]} : vector<256x16x64xf32> to vector<256x1x64xf32>
    %squeeze3A_170 = vector.shape_cast %slice3A_169 : vector<256x1x64xf32> to vector<256x64xf32>
    %add3A_171 = arith.addf %add3A_168, %squeeze3A_170 : vector<256x64xf32>
    %slice3A_172 = vector.extract_strided_slice %reshape3A_133 {offsets = [0, 13, 0], sizes = [256, 1, 64], strides = [1, 1, 1]} : vector<256x16x64xf32> to vector<256x1x64xf32>
    %squeeze3A_173 = vector.shape_cast %slice3A_172 : vector<256x1x64xf32> to vector<256x64xf32>
    %add3A_174 = arith.addf %add3A_171, %squeeze3A_173 : vector<256x64xf32>
    %slice3A_175 = vector.extract_strided_slice %reshape3A_133 {offsets = [0, 14, 0], sizes = [256, 1, 64], strides = [1, 1, 1]} : vector<256x16x64xf32> to vector<256x1x64xf32>
    %squeeze3A_176 = vector.shape_cast %slice3A_175 : vector<256x1x64xf32> to vector<256x64xf32>
    %add3A_177 = arith.addf %add3A_174, %squeeze3A_176 : vector<256x64xf32>
    %slice3A_178 = vector.extract_strided_slice %reshape3A_133 {offsets = [0, 15, 0], sizes = [256, 1, 64], strides = [1, 1, 1]} : vector<256x16x64xf32> to vector<256x1x64xf32>
    %squeeze3A_179 = vector.shape_cast %slice3A_178 : vector<256x1x64xf32> to vector<256x64xf32>
    %add3A_180 = arith.addf %add3A_177, %squeeze3A_179 : vector<256x64xf32>
    %concatenate3A_181 = tpu.concatenate %get3A_14, %add3A_180 in 1 : vector<256x128xf32>, vector<256x64xf32> -> vector<256x192xf32>
    %get3A_182 = arith.constant 0 : index
    %get3A_183 = arith.constant 0 : index
    %get3A_184 = vector.load %arg11[%get3A_182, %get3A_183] : memref<192x64xf32, #tpu.memory_space<vmem>>, vector<192x64xf32>
    %dot_general3A_185 = arith.constant dense<0.000000e+00> : vector<256x64xf32>
    %dot_general3A_186 = tpu.matmul %concatenate3A_181, %get3A_184, %dot_general3A_185 {dimension_numbers = #tpu.dot_dimension_numbers<[1], [0], [0], [1], [0, 0, 1, 1], [], []>, transpose_lhs_hint = false} : vector<256x192xf32>, vector<192x64xf32>, vector<256x64xf32> -> vector<256x64xf32>
    %get3A_187 = arith.constant 0 : index
    %get3A_188 = vector.load %arg12[%get3A_187] : memref<64xf32, #tpu.memory_space<vmem>>, vector<64xf32>
    %broadcast_in_dim3A_189 = vector.shape_cast %get3A_188 : vector<64xf32> to vector<1x64xf32>
    %add3A_190 = vector.broadcast %broadcast_in_dim3A_189 : vector<1x64xf32> to vector<256x64xf32>
    %add3A_191 = arith.addf %dot_general3A_186, %add3A_190 : vector<256x64xf32>
    %neg3A_192 = arith.constant 0.000000e+00 : f32
    %neg3A_193 = vector.broadcast %neg3A_192 : f32 to vector<256x64xf32>
    %neg3A_194 = arith.subf %neg3A_193, %add3A_191 : vector<256x64xf32>
    %exp3A_195 = math.exp %neg3A_194 : vector<256x64xf32>
    %add3A_196 = arith.constant 1.000000e+00 : f32
    %add3A_197 = vector.broadcast %add3A_196 : f32 to vector<256x64xf32>
    %add3A_198 = arith.addf %add3A_197, %exp3A_195 : vector<256x64xf32>
    %div3A_199 = arith.constant 1.000000e+00 : f32
    %div3A_200 = vector.broadcast %div3A_199 : f32 to vector<256x64xf32>
    %div3A_201 = arith.divf %div3A_200, %add3A_198 : vector<256x64xf32>
    %mul3A_202 = arith.mulf %add3A_191, %div3A_201 : vector<256x64xf32>
    %get3A_203 = arith.constant 0 : index
    %get3A_204 = arith.constant 0 : index
    %get3A_205 = vector.load %arg13[%get3A_203, %get3A_204] : memref<64x128xf32, #tpu.memory_space<vmem>>, vector<64x128xf32>
    %dot_general3A_206 = arith.constant dense<0.000000e+00> : vector<256x128xf32>
    %dot_general3A_207 = tpu.matmul %mul3A_202, %get3A_205, %dot_general3A_206 {dimension_numbers = #tpu.dot_dimension_numbers<[1], [0], [0], [1], [0, 0, 1, 1], [], []>, transpose_lhs_hint = false} : vector<256x64xf32>, vector<64x128xf32>, vector<256x128xf32> -> vector<256x128xf32>
    %get3A_208 = arith.constant 0 : index
    %get3A_209 = vector.load %arg14[%get3A_208] : memref<128xf32, #tpu.memory_space<vmem>>, vector<128xf32>
    %broadcast_in_dim3A_210 = vector.shape_cast %get3A_209 : vector<128xf32> to vector<1x128xf32>
    %add3A_211 = vector.broadcast %broadcast_in_dim3A_210 : vector<1x128xf32> to vector<256x128xf32>
    %add3A_212 = arith.addf %dot_general3A_207, %add3A_211 : vector<256x128xf32>
    %add3A_213 = arith.addf %get3A_14, %add3A_212 : vector<256x128xf32>
    %swap3A_214 = arith.constant 0 : index
    %swap3A_215 = arith.constant 0 : index
    %swap3A_216 = arith.constant 0 : index
    %swap3A_217 = vector.load %arg15[%swap3A_214, %swap3A_215, %swap3A_216] : memref<1x256x128xf32, #tpu.memory_space<vmem>>, vector<1x256x128xf32>
    %swap3A_218 = vector.shape_cast %swap3A_217 : vector<1x256x128xf32> to vector<256x128xf32>
    %swap3A_219 = vector.shape_cast %add3A_213 : vector<256x128xf32> to vector<1x256x128xf32>
    tpu.vector_store %arg15[%swap3A_214, %swap3A_215, %swap3A_216], %swap3A_219 {strides = array<i32>} : memref<1x256x128xf32, #tpu.memory_space<vmem>>, vector<1x256x128xf32>,
    return
  }
  func.func @transform_0(%arg0: i32, %arg1: i32) -> (i32, i32, i32) {
    %c0_i32 = arith.constant 0 : i32
    %c0_i32_0 = arith.constant 0 : i32
    return %arg0, %arg1, %c0_i32 : i32, i32, i32
  }
  func.func @transform_1(%arg0: i32, %arg1: i32) -> (i32, i32, i32) {
    %c0_i32 = arith.constant 0 : i32
    %c0_i32_0 = arith.constant 0 : i32
    return %arg0, %arg1, %c0_i32 : i32, i32, i32
  }
  func.func @transform_2(%arg0: i32, %arg1: i32) -> (i32, i32, i32) {
    %c0_i32 = arith.constant 0 : i32
    %c0_i32_0 = arith.constant 0 : i32
    return %arg0, %arg1, %c0_i32 : i32, i32, i32
  }
  func.func @transform_3(%arg0: i32, %arg1: i32) -> (i32, i32) {
    %c0_i32 = arith.constant 0 : i32
    %c0_i32_0 = arith.constant 0 : i32
    %c0_i32_1 = arith.constant 0 : i32
    return %c0_i32, %c0_i32_0 : i32, i32
  }
  func.func @transform_4(%arg0: i32, %arg1: i32) -> i32 {
    %c0_i32 = arith.constant 0 : i32
    %c0_i32_0 = arith.constant 0 : i32
    return %c0_i32 : i32
  }
  func.func @transform_5(%arg0: i32, %arg1: i32) -> (i32, i32) {
    %c0_i32 = arith.constant 0 : i32
    %c0_i32_0 = arith.constant 0 : i32
    %c0_i32_1 = arith.constant 0 : i32
    return %c0_i32, %c0_i32_0 : i32, i32
  }
  func.func @transform_6(%arg0: i32, %arg1: i32) -> i32 {
    %c0_i32 = arith.constant 0 : i32
    %c0_i32_0 = arith.constant 0 : i32
    return %c0_i32 : i32
  }
  func.func @transform_7(%arg0: i32, %arg1: i32) -> (i32, i32) {
    %c0_i32 = arith.constant 0 : i32
    %c0_i32_0 = arith.constant 0 : i32
    %c0_i32_1 = arith.constant 0 : i32
    return %c0_i32, %c0_i32_0 : i32, i32
  }
  func.func @transform_8(%arg0: i32, %arg1: i32) -> i32 {
    %c0_i32 = arith.constant 0 : i32
    %c0_i32_0 = arith.constant 0 : i32
    return %c0_i32 : i32
  }
  func.func @transform_9(%arg0: i32, %arg1: i32) -> (i32, i32) {
    %c0_i32 = arith.constant 0 : i32
    %c0_i32_0 = arith.constant 0 : i32
    %c0_i32_1 = arith.constant 0 : i32
    return %c0_i32, %c0_i32_0 : i32, i32
  }
  func.func @transform_10(%arg0: i32, %arg1: i32) -> i32 {
    %c0_i32 = arith.constant 0 : i32
    %c0_i32_0 = arith.constant 0 : i32
    return %c0_i32 : i32
  }
  func.func @transform_11(%arg0: i32, %arg1: i32) -> (i32, i32) {
    %c0_i32 = arith.constant 0 : i32
    %c0_i32_0 = arith.constant 0 : i32
    %c0_i32_1 = arith.constant 0 : i32
    return %c0_i32, %c0_i32_0 : i32, i32
  }
  func.func @transform_12(%arg0: i32, %arg1: i32) -> i32 {
    %c0_i32 = arith.constant 0 : i32
    %c0_i32_0 = arith.constant 0 : i32
    return %c0_i32 : i32
  }
  func.func @transform_13(%arg0: i32, %arg1: i32) -> (i32, i32, i32) {
    %c0_i32 = arith.constant 0 : i32
    %c0_i32_0 = arith.constant 0 : i32
    return %arg0, %arg1, %c0_i32 : i32, i32, i32
  }
  func.func @transform_14(%arg0: i32, %arg1: i32) -> (i32, i32, i32) {
    %c0_i32 = arith.constant 0 : i32
    %c0_i32_0 = arith.constant 0 : i32
    return %arg0, %arg1, %c0_i32 : i32, i32, i32
  }
}

module attributes {stable_mosaic.version = 14 : i64} {
  func.func @_attn_body(%arg0: i32, %arg1: memref<1x2048x128xf32, #tpu.memory_space<vmem>>, %arg2: memref<1x2048x3xf32, #tpu.memory_space<vmem>>, %arg3: memref<64xf32, #tpu.memory_space<vmem>>, %arg4: memref<1x1xf32, #tpu.memory_space<vmem>>, %arg5: memref<192x64xf32, #tpu.memory_space<vmem>>, %arg6: memref<64xf32, #tpu.memory_space<vmem>>, %arg7: memref<192x64xf32, #tpu.memory_space<vmem>>, %arg8: memref<64xf32, #tpu.memory_space<vmem>>, %arg9: memref<192x64xf32, #tpu.memory_space<vmem>>, %arg10: memref<64xf32, #tpu.memory_space<vmem>>, %arg11: memref<64x192xf32, #tpu.memory_space<vmem>>, %arg12: memref<192xf32, #tpu.memory_space<vmem>>, %arg13: memref<1x2048xf32, #tpu.memory_space<vmem>>, %arg14: memref<1xf32, #tpu.memory_space<vmem>>, %arg15: memref<192x1xf32, #tpu.memory_space<vmem>>, %arg16: memref<1xf32, #tpu.memory_space<vmem>>, %arg17: memref<1x8x128xf32, #tpu.memory_space<vmem>>) attributes {dimension_semantics = [#tpu.dimension_semantics<arbitrary>], iteration_bounds = array<i64: 2>, scalar_prefetch = 0 : i64, scratch_operands = 0 : i64, tpu.core_type = #tpu.core_type<tc>, window_params = [{transform_indices = @transform_0, window_bounds = array<i64: 1, 2048, 128>}, {transform_indices = @transform_1, window_bounds = array<i64: 1, 2048, 3>}, {pipeline_mode = #tpu.pipeline_mode<synchronous>, transform_indices = @transform_2, window_bounds = array<i64: 64>}, {pipeline_mode = #tpu.pipeline_mode<synchronous>, transform_indices = @transform_3, window_bounds = array<i64: 1, 1>}, {pipeline_mode = #tpu.pipeline_mode<synchronous>, transform_indices = @transform_4, window_bounds = array<i64: 192, 64>}, {pipeline_mode = #tpu.pipeline_mode<synchronous>, transform_indices = @transform_5, window_bounds = array<i64: 64>}, {pipeline_mode = #tpu.pipeline_mode<synchronous>, transform_indices = @transform_6, window_bounds = array<i64: 192, 64>}, {pipeline_mode = #tpu.pipeline_mode<synchronous>, transform_indices = @transform_7, window_bounds = array<i64: 64>}, {pipeline_mode = #tpu.pipeline_mode<synchronous>, transform_indices = @transform_8, window_bounds = array<i64: 192, 64>}, {pipeline_mode = #tpu.pipeline_mode<synchronous>, transform_indices = @transform_9, window_bounds = array<i64: 64>}, {pipeline_mode = #tpu.pipeline_mode<synchronous>, transform_indices = @transform_10, window_bounds = array<i64: 64, 192>}, {pipeline_mode = #tpu.pipeline_mode<synchronous>, transform_indices = @transform_11, window_bounds = array<i64: 192>}, {pipeline_mode = #tpu.pipeline_mode<synchronous>, transform_indices = @transform_12, window_bounds = array<i64: 1, 2048>}, {pipeline_mode = #tpu.pipeline_mode<synchronous>, transform_indices = @transform_13, window_bounds = array<i64: 1>}, {pipeline_mode = #tpu.pipeline_mode<synchronous>, transform_indices = @transform_14, window_bounds = array<i64: 192, 1>}, {pipeline_mode = #tpu.pipeline_mode<synchronous>, transform_indices = @transform_15, window_bounds = array<i64: 1>}, {transform_indices = @transform_16, window_bounds = array<i64: 1, 8, 128>}]} {
    %get3A = arith.constant 0 : index
    %get3A_0 = arith.constant 0 : index
    %get3A_1 = arith.constant 0 : index
    %get3A_2 = vector.load %arg2[%get3A, %get3A_0, %get3A_1] : memref<1x2048x3xf32, #tpu.memory_space<vmem>>, vector<1x2048x3xf32>
    %get3A_3 = vector.shape_cast %get3A_2 : vector<1x2048x3xf32> to vector<2048x3xf32>
    %get3A_4 = arith.constant 0 : index
    %get3A_5 = arith.constant 0 : index
    %get3A_6 = arith.constant 0 : index
    %get3A_7 = vector.load %arg1[%get3A_4, %get3A_5, %get3A_6] : memref<1x2048x128xf32, #tpu.memory_space<vmem>>, vector<1x2048x128xf32>
    %get3A_8 = vector.shape_cast %get3A_7 : vector<1x2048x128xf32> to vector<2048x128xf32>
    %reduce_sum3A = arith.constant dense<0.000000e+00> : vector<3xf32>
    %reduce_sum3A_9 = vector.multi_reduction <add>, %get3A_3, %reduce_sum3A [0] : vector<2048x3xf32> to vector<3xf32>
    %broadcast_in_dim3A = vector.shape_cast %reduce_sum3A_9 : vector<3xf32> to vector<1x3xf32>
    %mul3A = arith.constant 4.8828125E-4 : f32
    %mul3A_10 = vector.broadcast %mul3A : f32 to vector<1x3xf32>
    %mul3A_11 = arith.mulf %broadcast_in_dim3A, %mul3A_10 : vector<1x3xf32>
    %sub3A = vector.broadcast %mul3A_11 : vector<1x3xf32> to vector<2048x3xf32>
    %sub3A_12 = arith.subf %get3A_3, %sub3A : vector<2048x3xf32>
    %mul3A_13 = arith.mulf %sub3A_12, %sub3A_12 : vector<2048x3xf32>
    %reduce_sum3A_14 = arith.constant dense<0.000000e+00> : vector<2048xf32>
    %reduce_sum3A_15 = vector.multi_reduction <add>, %mul3A_13, %reduce_sum3A_14 [1] : vector<2048x3xf32> to vector<2048xf32>
    %broadcast_in_dim3A_16 = vector.shape_cast %reduce_sum3A_15 : vector<2048xf32> to vector<2048x1xf32>
    %sqrt3A = math.sqrt %broadcast_in_dim3A_16 : vector<2048x1xf32>
    %get3A_17 = arith.constant 0 : index
    %get3A_18 = arith.constant 0 : index
    %get3A_19 = vector.load %arg4[%get3A_17, %get3A_18] : memref<1x1xf32, #tpu.memory_space<vmem>>, vector<1x1xf32>
    %get3A_20 = vector.extract %get3A_19[0, 0] : f32 from vector<1x1xf32>
    %get3A_21 = arith.constant 0 : index
    %get3A_22 = vector.load %arg3[%get3A_21] : memref<64xf32, #tpu.memory_space<vmem>>, vector<64xf32>
    %broadcast_in_dim3A_23 = vector.shape_cast %get3A_22 : vector<64xf32> to vector<1x64xf32>
    %sub3A_24 = vector.broadcast %sqrt3A : vector<2048x1xf32> to vector<2048x64xf32>
    %sub3A_25 = vector.broadcast %broadcast_in_dim3A_23 : vector<1x64xf32> to vector<2048x64xf32>
    %sub3A_26 = arith.subf %sub3A_24, %sub3A_25 : vector<2048x64xf32>
    %neg3A = arith.constant 0.000000e+00 : f32
    %neg3A_27 = arith.subf %neg3A, %get3A_20 : f32
    %mul3A_28 = vector.broadcast %neg3A_27 : f32 to vector<2048x64xf32>
    %mul3A_29 = arith.mulf %mul3A_28, %sub3A_26 : vector<2048x64xf32>
    %mul3A_30 = arith.mulf %mul3A_29, %sub3A_26 : vector<2048x64xf32>
    %exp3A = math.exp %mul3A_30 : vector<2048x64xf32>
    %concatenate3A = tpu.concatenate %exp3A, %get3A_8 in 1 : vector<2048x64xf32>, vector<2048x128xf32> -> vector<2048x192xf32>
    %get3A_31 = arith.constant 0 : index
    %get3A_32 = arith.constant 0 : index
    %get3A_33 = vector.load %arg5[%get3A_31, %get3A_32] : memref<192x64xf32, #tpu.memory_space<vmem>>, vector<192x64xf32>
    %dot_general3A = arith.constant dense<0.000000e+00> : vector<2048x64xf32>
    %dot_general3A_34 = tpu.matmul %concatenate3A, %get3A_33, %dot_general3A {dimension_numbers = #tpu.dot_dimension_numbers<[1], [0], [0], [1], [0, 0, 1, 1], [], []>, transpose_lhs_hint = false} : vector<2048x192xf32>, vector<192x64xf32>, vector<2048x64xf32> -> vector<2048x64xf32>
    %get3A_35 = arith.constant 0 : index
    %get3A_36 = vector.load %arg6[%get3A_35] : memref<64xf32, #tpu.memory_space<vmem>>, vector<64xf32>
    %broadcast_in_dim3A_37 = vector.shape_cast %get3A_36 : vector<64xf32> to vector<1x64xf32>
    %add3A = vector.broadcast %broadcast_in_dim3A_37 : vector<1x64xf32> to vector<2048x64xf32>
    %add3A_38 = arith.addf %dot_general3A_34, %add3A : vector<2048x64xf32>
    %get3A_39 = arith.constant 0 : index
    %get3A_40 = arith.constant 0 : index
    %get3A_41 = vector.load %arg7[%get3A_39, %get3A_40] : memref<192x64xf32, #tpu.memory_space<vmem>>, vector<192x64xf32>
    %dot_general3A_42 = arith.constant dense<0.000000e+00> : vector<2048x64xf32>
    %dot_general3A_43 = tpu.matmul %concatenate3A, %get3A_41, %dot_general3A_42 {dimension_numbers = #tpu.dot_dimension_numbers<[1], [0], [0], [1], [0, 0, 1, 1], [], []>, transpose_lhs_hint = false} : vector<2048x192xf32>, vector<192x64xf32>, vector<2048x64xf32> -> vector<2048x64xf32>
    %get3A_44 = arith.constant 0 : index
    %get3A_45 = vector.load %arg8[%get3A_44] : memref<64xf32, #tpu.memory_space<vmem>>, vector<64xf32>
    %broadcast_in_dim3A_46 = vector.shape_cast %get3A_45 : vector<64xf32> to vector<1x64xf32>
    %add3A_47 = vector.broadcast %broadcast_in_dim3A_46 : vector<1x64xf32> to vector<2048x64xf32>
    %add3A_48 = arith.addf %dot_general3A_43, %add3A_47 : vector<2048x64xf32>
    %get3A_49 = arith.constant 0 : index
    %get3A_50 = arith.constant 0 : index
    %get3A_51 = vector.load %arg9[%get3A_49, %get3A_50] : memref<192x64xf32, #tpu.memory_space<vmem>>, vector<192x64xf32>
    %dot_general3A_52 = arith.constant dense<0.000000e+00> : vector<2048x64xf32>
    %dot_general3A_53 = tpu.matmul %concatenate3A, %get3A_51, %dot_general3A_52 {dimension_numbers = #tpu.dot_dimension_numbers<[1], [0], [0], [1], [0, 0, 1, 1], [], []>, transpose_lhs_hint = false} : vector<2048x192xf32>, vector<192x64xf32>, vector<2048x64xf32> -> vector<2048x64xf32>
    %get3A_54 = arith.constant 0 : index
    %get3A_55 = vector.load %arg10[%get3A_54] : memref<64xf32, #tpu.memory_space<vmem>>, vector<64xf32>
    %broadcast_in_dim3A_56 = vector.shape_cast %get3A_55 : vector<64xf32> to vector<1x64xf32>
    %add3A_57 = vector.broadcast %broadcast_in_dim3A_56 : vector<1x64xf32> to vector<2048x64xf32>
    %add3A_58 = arith.addf %dot_general3A_53, %add3A_57 : vector<2048x64xf32>
    %get3A_59 = arith.constant 0 : index
    %get3A_60 = arith.constant 0 : index
    %get3A_61 = vector.load %arg15[%get3A_59, %get3A_60] : memref<192x1xf32, #tpu.memory_space<vmem>>, vector<192x1xf32>
    %broadcast_in_dim3A_62 = arith.constant 0.000000e+00 : f32
    %broadcast_in_dim3A_63 = vector.broadcast %broadcast_in_dim3A_62 : f32 to vector<1x192xf32>
    %slice3A = vector.extract_strided_slice %add3A_38 {offsets = [0, 0], sizes = [256, 64], strides = [1, 1]} : vector<2048x64xf32> to vector<256x64xf32>
    %dot_general3A_64 = arith.constant dense<0.000000e+00> : vector<256x2048xf32>
    %dot_general3A_65 = tpu.matmul %slice3A, %add3A_48, %dot_general3A_64 {dimension_numbers = #tpu.dot_dimension_numbers<[1], [1], [0], [0], [0, 0, 1, 0], [], []>, transpose_lhs_hint = false} : vector<256x64xf32>, vector<2048x64xf32>, vector<256x2048xf32> -> vector<256x2048xf32>
    %mul3A_66 = arith.constant 1.250000e-01 : f32
    %mul3A_67 = vector.broadcast %mul3A_66 : f32 to vector<256x2048xf32>
    %mul3A_68 = arith.mulf %dot_general3A_65, %mul3A_67 : vector<256x2048xf32>
    %reduce_max3A = arith.constant dense<0xFF800000> : vector<256xf32>
    %reduce_max3A_69 = vector.multi_reduction <maximumf>, %mul3A_68, %reduce_max3A [1] : vector<256x2048xf32> to vector<256xf32>
    %broadcast_in_dim3A_70 = vector.shape_cast %reduce_max3A_69 : vector<256xf32> to vector<256x1xf32>
    %sub3A_71 = vector.broadcast %broadcast_in_dim3A_70 : vector<256x1xf32> to vector<256x2048xf32>
    %sub3A_72 = arith.subf %mul3A_68, %sub3A_71 : vector<256x2048xf32>
    %exp3A_73 = math.exp %sub3A_72 : vector<256x2048xf32>
    %reduce_sum3A_74 = arith.constant dense<0.000000e+00> : vector<256xf32>
    %reduce_sum3A_75 = vector.multi_reduction <add>, %exp3A_73, %reduce_sum3A_74 [1] : vector<256x2048xf32> to vector<256xf32>
    %broadcast_in_dim3A_76 = vector.shape_cast %reduce_sum3A_75 : vector<256xf32> to vector<256x1xf32>
    %div3A = vector.broadcast %broadcast_in_dim3A_76 : vector<256x1xf32> to vector<256x2048xf32>
    %div3A_77 = arith.divf %exp3A_73, %div3A : vector<256x2048xf32>
    %dot_general3A_78 = arith.constant dense<0.000000e+00> : vector<256x64xf32>
    %dot_general3A_79 = tpu.matmul %div3A_77, %add3A_58, %dot_general3A_78 {dimension_numbers = #tpu.dot_dimension_numbers<[1], [0], [0], [1], [0, 0, 1, 1], [], []>, transpose_lhs_hint = false} : vector<256x2048xf32>, vector<2048x64xf32>, vector<256x64xf32> -> vector<256x64xf32>
    %get3A_80 = arith.constant 0 : index
    %get3A_81 = arith.constant 0 : index
    %get3A_82 = vector.load %arg11[%get3A_80, %get3A_81] : memref<64x192xf32, #tpu.memory_space<vmem>>, vector<64x192xf32>
    %dot_general3A_83 = arith.constant dense<0.000000e+00> : vector<256x192xf32>
    %dot_general3A_84 = tpu.matmul %dot_general3A_79, %get3A_82, %dot_general3A_83 {dimension_numbers = #tpu.dot_dimension_numbers<[1], [0], [0], [1], [0, 0, 1, 1], [], []>, transpose_lhs_hint = false} : vector<256x64xf32>, vector<64x192xf32>, vector<256x192xf32> -> vector<256x192xf32>
    %get3A_85 = arith.constant 0 : index
    %get3A_86 = vector.load %arg12[%get3A_85] : memref<192xf32, #tpu.memory_space<vmem>>, vector<192xf32>
    %broadcast_in_dim3A_87 = vector.shape_cast %get3A_86 : vector<192xf32> to vector<1x192xf32>
    %add3A_88 = vector.broadcast %broadcast_in_dim3A_87 : vector<1x192xf32> to vector<256x192xf32>
    %add3A_89 = arith.addf %dot_general3A_84, %add3A_88 : vector<256x192xf32>
    %get3A_90 = arith.constant 0 : index
    %get3A_91 = arith.constant 0 : index
    %get3A_92 = vector.load %arg13[%get3A_90, %get3A_91] : memref<1x2048xf32, #tpu.memory_space<vmem>>, vector<1x256xf32>
    %dot_general3A_93 = arith.constant dense<0.000000e+00> : vector<1x192xf32>
    %dot_general3A_94 = tpu.matmul %get3A_92, %add3A_89, %dot_general3A_93 {dimension_numbers = #tpu.dot_dimension_numbers<[1], [0], [0], [1], [0, 0, 1, 1], [], []>, transpose_lhs_hint = false} : vector<1x256xf32>, vector<256x192xf32>, vector<1x192xf32> -> vector<1x192xf32>
    %add3A_95 = arith.addf %broadcast_in_dim3A_63, %dot_general3A_94 : vector<1x192xf32>
    %slice3A_96 = vector.extract_strided_slice %add3A_38 {offsets = [256, 0], sizes = [256, 64], strides = [1, 1]} : vector<2048x64xf32> to vector<256x64xf32>
    %dot_general3A_97 = arith.constant dense<0.000000e+00> : vector<256x2048xf32>
    %dot_general3A_98 = tpu.matmul %slice3A_96, %add3A_48, %dot_general3A_97 {dimension_numbers = #tpu.dot_dimension_numbers<[1], [1], [0], [0], [0, 0, 1, 0], [], []>, transpose_lhs_hint = false} : vector<256x64xf32>, vector<2048x64xf32>, vector<256x2048xf32> -> vector<256x2048xf32>
    %mul3A_99 = arith.constant 1.250000e-01 : f32
    %mul3A_100 = vector.broadcast %mul3A_99 : f32 to vector<256x2048xf32>
    %mul3A_101 = arith.mulf %dot_general3A_98, %mul3A_100 : vector<256x2048xf32>
    %reduce_max3A_102 = arith.constant dense<0xFF800000> : vector<256xf32>
    %reduce_max3A_103 = vector.multi_reduction <maximumf>, %mul3A_101, %reduce_max3A_102 [1] : vector<256x2048xf32> to vector<256xf32>
    %broadcast_in_dim3A_104 = vector.shape_cast %reduce_max3A_103 : vector<256xf32> to vector<256x1xf32>
    %sub3A_105 = vector.broadcast %broadcast_in_dim3A_104 : vector<256x1xf32> to vector<256x2048xf32>
    %sub3A_106 = arith.subf %mul3A_101, %sub3A_105 : vector<256x2048xf32>
    %exp3A_107 = math.exp %sub3A_106 : vector<256x2048xf32>
    %reduce_sum3A_108 = arith.constant dense<0.000000e+00> : vector<256xf32>
    %reduce_sum3A_109 = vector.multi_reduction <add>, %exp3A_107, %reduce_sum3A_108 [1] : vector<256x2048xf32> to vector<256xf32>
    %broadcast_in_dim3A_110 = vector.shape_cast %reduce_sum3A_109 : vector<256xf32> to vector<256x1xf32>
    %div3A_111 = vector.broadcast %broadcast_in_dim3A_110 : vector<256x1xf32> to vector<256x2048xf32>
    %div3A_112 = arith.divf %exp3A_107, %div3A_111 : vector<256x2048xf32>
    %dot_general3A_113 = arith.constant dense<0.000000e+00> : vector<256x64xf32>
    %dot_general3A_114 = tpu.matmul %div3A_112, %add3A_58, %dot_general3A_113 {dimension_numbers = #tpu.dot_dimension_numbers<[1], [0], [0], [1], [0, 0, 1, 1], [], []>, transpose_lhs_hint = false} : vector<256x2048xf32>, vector<2048x64xf32>, vector<256x64xf32> -> vector<256x64xf32>
    %get3A_115 = arith.constant 0 : index
    %get3A_116 = arith.constant 0 : index
    %get3A_117 = vector.load %arg11[%get3A_115, %get3A_116] : memref<64x192xf32, #tpu.memory_space<vmem>>, vector<64x192xf32>
    %dot_general3A_118 = arith.constant dense<0.000000e+00> : vector<256x192xf32>
    %dot_general3A_119 = tpu.matmul %dot_general3A_114, %get3A_117, %dot_general3A_118 {dimension_numbers = #tpu.dot_dimension_numbers<[1], [0], [0], [1], [0, 0, 1, 1], [], []>, transpose_lhs_hint = false} : vector<256x64xf32>, vector<64x192xf32>, vector<256x192xf32> -> vector<256x192xf32>
    %get3A_120 = arith.constant 0 : index
    %get3A_121 = vector.load %arg12[%get3A_120] : memref<192xf32, #tpu.memory_space<vmem>>, vector<192xf32>
    %broadcast_in_dim3A_122 = vector.shape_cast %get3A_121 : vector<192xf32> to vector<1x192xf32>
    %add3A_123 = vector.broadcast %broadcast_in_dim3A_122 : vector<1x192xf32> to vector<256x192xf32>
    %add3A_124 = arith.addf %dot_general3A_119, %add3A_123 : vector<256x192xf32>
    %get3A_125 = arith.constant 0 : index
    %get3A_126 = arith.constant 256 : index
    %get3A_127 = vector.load %arg13[%get3A_125, %get3A_126] : memref<1x2048xf32, #tpu.memory_space<vmem>>, vector<1x256xf32>
    %dot_general3A_128 = arith.constant dense<0.000000e+00> : vector<1x192xf32>
    %dot_general3A_129 = tpu.matmul %get3A_127, %add3A_124, %dot_general3A_128 {dimension_numbers = #tpu.dot_dimension_numbers<[1], [0], [0], [1], [0, 0, 1, 1], [], []>, transpose_lhs_hint = false} : vector<1x256xf32>, vector<256x192xf32>, vector<1x192xf32> -> vector<1x192xf32>
    %add3A_130 = arith.addf %add3A_95, %dot_general3A_129 : vector<1x192xf32>
    %slice3A_131 = vector.extract_strided_slice %add3A_38 {offsets = [512, 0], sizes = [256, 64], strides = [1, 1]} : vector<2048x64xf32> to vector<256x64xf32>
    %dot_general3A_132 = arith.constant dense<0.000000e+00> : vector<256x2048xf32>
    %dot_general3A_133 = tpu.matmul %slice3A_131, %add3A_48, %dot_general3A_132 {dimension_numbers = #tpu.dot_dimension_numbers<[1], [1], [0], [0], [0, 0, 1, 0], [], []>, transpose_lhs_hint = false} : vector<256x64xf32>, vector<2048x64xf32>, vector<256x2048xf32> -> vector<256x2048xf32>
    %mul3A_134 = arith.constant 1.250000e-01 : f32
    %mul3A_135 = vector.broadcast %mul3A_134 : f32 to vector<256x2048xf32>
    %mul3A_136 = arith.mulf %dot_general3A_133, %mul3A_135 : vector<256x2048xf32>
    %reduce_max3A_137 = arith.constant dense<0xFF800000> : vector<256xf32>
    %reduce_max3A_138 = vector.multi_reduction <maximumf>, %mul3A_136, %reduce_max3A_137 [1] : vector<256x2048xf32> to vector<256xf32>
    %broadcast_in_dim3A_139 = vector.shape_cast %reduce_max3A_138 : vector<256xf32> to vector<256x1xf32>
    %sub3A_140 = vector.broadcast %broadcast_in_dim3A_139 : vector<256x1xf32> to vector<256x2048xf32>
    %sub3A_141 = arith.subf %mul3A_136, %sub3A_140 : vector<256x2048xf32>
    %exp3A_142 = math.exp %sub3A_141 : vector<256x2048xf32>
    %reduce_sum3A_143 = arith.constant dense<0.000000e+00> : vector<256xf32>
    %reduce_sum3A_144 = vector.multi_reduction <add>, %exp3A_142, %reduce_sum3A_143 [1] : vector<256x2048xf32> to vector<256xf32>
    %broadcast_in_dim3A_145 = vector.shape_cast %reduce_sum3A_144 : vector<256xf32> to vector<256x1xf32>
    %div3A_146 = vector.broadcast %broadcast_in_dim3A_145 : vector<256x1xf32> to vector<256x2048xf32>
    %div3A_147 = arith.divf %exp3A_142, %div3A_146 : vector<256x2048xf32>
    %dot_general3A_148 = arith.constant dense<0.000000e+00> : vector<256x64xf32>
    %dot_general3A_149 = tpu.matmul %div3A_147, %add3A_58, %dot_general3A_148 {dimension_numbers = #tpu.dot_dimension_numbers<[1], [0], [0], [1], [0, 0, 1, 1], [], []>, transpose_lhs_hint = false} : vector<256x2048xf32>, vector<2048x64xf32>, vector<256x64xf32> -> vector<256x64xf32>
    %get3A_150 = arith.constant 0 : index
    %get3A_151 = arith.constant 0 : index
    %get3A_152 = vector.load %arg11[%get3A_150, %get3A_151] : memref<64x192xf32, #tpu.memory_space<vmem>>, vector<64x192xf32>
    %dot_general3A_153 = arith.constant dense<0.000000e+00> : vector<256x192xf32>
    %dot_general3A_154 = tpu.matmul %dot_general3A_149, %get3A_152, %dot_general3A_153 {dimension_numbers = #tpu.dot_dimension_numbers<[1], [0], [0], [1], [0, 0, 1, 1], [], []>, transpose_lhs_hint = false} : vector<256x64xf32>, vector<64x192xf32>, vector<256x192xf32> -> vector<256x192xf32>
    %get3A_155 = arith.constant 0 : index
    %get3A_156 = vector.load %arg12[%get3A_155] : memref<192xf32, #tpu.memory_space<vmem>>, vector<192xf32>
    %broadcast_in_dim3A_157 = vector.shape_cast %get3A_156 : vector<192xf32> to vector<1x192xf32>
    %add3A_158 = vector.broadcast %broadcast_in_dim3A_157 : vector<1x192xf32> to vector<256x192xf32>
    %add3A_159 = arith.addf %dot_general3A_154, %add3A_158 : vector<256x192xf32>
    %get3A_160 = arith.constant 0 : index
    %get3A_161 = arith.constant 512 : index
    %get3A_162 = vector.load %arg13[%get3A_160, %get3A_161] : memref<1x2048xf32, #tpu.memory_space<vmem>>, vector<1x256xf32>
    %dot_general3A_163 = arith.constant dense<0.000000e+00> : vector<1x192xf32>
    %dot_general3A_164 = tpu.matmul %get3A_162, %add3A_159, %dot_general3A_163 {dimension_numbers = #tpu.dot_dimension_numbers<[1], [0], [0], [1], [0, 0, 1, 1], [], []>, transpose_lhs_hint = false} : vector<1x256xf32>, vector<256x192xf32>, vector<1x192xf32> -> vector<1x192xf32>
    %add3A_165 = arith.addf %add3A_130, %dot_general3A_164 : vector<1x192xf32>
    %slice3A_166 = vector.extract_strided_slice %add3A_38 {offsets = [768, 0], sizes = [256, 64], strides = [1, 1]} : vector<2048x64xf32> to vector<256x64xf32>
    %dot_general3A_167 = arith.constant dense<0.000000e+00> : vector<256x2048xf32>
    %dot_general3A_168 = tpu.matmul %slice3A_166, %add3A_48, %dot_general3A_167 {dimension_numbers = #tpu.dot_dimension_numbers<[1], [1], [0], [0], [0, 0, 1, 0], [], []>, transpose_lhs_hint = false} : vector<256x64xf32>, vector<2048x64xf32>, vector<256x2048xf32> -> vector<256x2048xf32>
    %mul3A_169 = arith.constant 1.250000e-01 : f32
    %mul3A_170 = vector.broadcast %mul3A_169 : f32 to vector<256x2048xf32>
    %mul3A_171 = arith.mulf %dot_general3A_168, %mul3A_170 : vector<256x2048xf32>
    %reduce_max3A_172 = arith.constant dense<0xFF800000> : vector<256xf32>
    %reduce_max3A_173 = vector.multi_reduction <maximumf>, %mul3A_171, %reduce_max3A_172 [1] : vector<256x2048xf32> to vector<256xf32>
    %broadcast_in_dim3A_174 = vector.shape_cast %reduce_max3A_173 : vector<256xf32> to vector<256x1xf32>
    %sub3A_175 = vector.broadcast %broadcast_in_dim3A_174 : vector<256x1xf32> to vector<256x2048xf32>
    %sub3A_176 = arith.subf %mul3A_171, %sub3A_175 : vector<256x2048xf32>
    %exp3A_177 = math.exp %sub3A_176 : vector<256x2048xf32>
    %reduce_sum3A_178 = arith.constant dense<0.000000e+00> : vector<256xf32>
    %reduce_sum3A_179 = vector.multi_reduction <add>, %exp3A_177, %reduce_sum3A_178 [1] : vector<256x2048xf32> to vector<256xf32>
    %broadcast_in_dim3A_180 = vector.shape_cast %reduce_sum3A_179 : vector<256xf32> to vector<256x1xf32>
    %div3A_181 = vector.broadcast %broadcast_in_dim3A_180 : vector<256x1xf32> to vector<256x2048xf32>
    %div3A_182 = arith.divf %exp3A_177, %div3A_181 : vector<256x2048xf32>
    %dot_general3A_183 = arith.constant dense<0.000000e+00> : vector<256x64xf32>
    %dot_general3A_184 = tpu.matmul %div3A_182, %add3A_58, %dot_general3A_183 {dimension_numbers = #tpu.dot_dimension_numbers<[1], [0], [0], [1], [0, 0, 1, 1], [], []>, transpose_lhs_hint = false} : vector<256x2048xf32>, vector<2048x64xf32>, vector<256x64xf32> -> vector<256x64xf32>
    %get3A_185 = arith.constant 0 : index
    %get3A_186 = arith.constant 0 : index
    %get3A_187 = vector.load %arg11[%get3A_185, %get3A_186] : memref<64x192xf32, #tpu.memory_space<vmem>>, vector<64x192xf32>
    %dot_general3A_188 = arith.constant dense<0.000000e+00> : vector<256x192xf32>
    %dot_general3A_189 = tpu.matmul %dot_general3A_184, %get3A_187, %dot_general3A_188 {dimension_numbers = #tpu.dot_dimension_numbers<[1], [0], [0], [1], [0, 0, 1, 1], [], []>, transpose_lhs_hint = false} : vector<256x64xf32>, vector<64x192xf32>, vector<256x192xf32> -> vector<256x192xf32>
    %get3A_190 = arith.constant 0 : index
    %get3A_191 = vector.load %arg12[%get3A_190] : memref<192xf32, #tpu.memory_space<vmem>>, vector<192xf32>
    %broadcast_in_dim3A_192 = vector.shape_cast %get3A_191 : vector<192xf32> to vector<1x192xf32>
    %add3A_193 = vector.broadcast %broadcast_in_dim3A_192 : vector<1x192xf32> to vector<256x192xf32>
    %add3A_194 = arith.addf %dot_general3A_189, %add3A_193 : vector<256x192xf32>
    %get3A_195 = arith.constant 0 : index
    %get3A_196 = arith.constant 768 : index
    %get3A_197 = vector.load %arg13[%get3A_195, %get3A_196] : memref<1x2048xf32, #tpu.memory_space<vmem>>, vector<1x256xf32>
    %dot_general3A_198 = arith.constant dense<0.000000e+00> : vector<1x192xf32>
    %dot_general3A_199 = tpu.matmul %get3A_197, %add3A_194, %dot_general3A_198 {dimension_numbers = #tpu.dot_dimension_numbers<[1], [0], [0], [1], [0, 0, 1, 1], [], []>, transpose_lhs_hint = false} : vector<1x256xf32>, vector<256x192xf32>, vector<1x192xf32> -> vector<1x192xf32>
    %add3A_200 = arith.addf %add3A_165, %dot_general3A_199 : vector<1x192xf32>
    %slice3A_201 = vector.extract_strided_slice %add3A_38 {offsets = [1024, 0], sizes = [256, 64], strides = [1, 1]} : vector<2048x64xf32> to vector<256x64xf32>
    %dot_general3A_202 = arith.constant dense<0.000000e+00> : vector<256x2048xf32>
    %dot_general3A_203 = tpu.matmul %slice3A_201, %add3A_48, %dot_general3A_202 {dimension_numbers = #tpu.dot_dimension_numbers<[1], [1], [0], [0], [0, 0, 1, 0], [], []>, transpose_lhs_hint = false} : vector<256x64xf32>, vector<2048x64xf32>, vector<256x2048xf32> -> vector<256x2048xf32>
    %mul3A_204 = arith.constant 1.250000e-01 : f32
    %mul3A_205 = vector.broadcast %mul3A_204 : f32 to vector<256x2048xf32>
    %mul3A_206 = arith.mulf %dot_general3A_203, %mul3A_205 : vector<256x2048xf32>
    %reduce_max3A_207 = arith.constant dense<0xFF800000> : vector<256xf32>
    %reduce_max3A_208 = vector.multi_reduction <maximumf>, %mul3A_206, %reduce_max3A_207 [1] : vector<256x2048xf32> to vector<256xf32>
    %broadcast_in_dim3A_209 = vector.shape_cast %reduce_max3A_208 : vector<256xf32> to vector<256x1xf32>
    %sub3A_210 = vector.broadcast %broadcast_in_dim3A_209 : vector<256x1xf32> to vector<256x2048xf32>
    %sub3A_211 = arith.subf %mul3A_206, %sub3A_210 : vector<256x2048xf32>
    %exp3A_212 = math.exp %sub3A_211 : vector<256x2048xf32>
    %reduce_sum3A_213 = arith.constant dense<0.000000e+00> : vector<256xf32>
    %reduce_sum3A_214 = vector.multi_reduction <add>, %exp3A_212, %reduce_sum3A_213 [1] : vector<256x2048xf32> to vector<256xf32>
    %broadcast_in_dim3A_215 = vector.shape_cast %reduce_sum3A_214 : vector<256xf32> to vector<256x1xf32>
    %div3A_216 = vector.broadcast %broadcast_in_dim3A_215 : vector<256x1xf32> to vector<256x2048xf32>
    %div3A_217 = arith.divf %exp3A_212, %div3A_216 : vector<256x2048xf32>
    %dot_general3A_218 = arith.constant dense<0.000000e+00> : vector<256x64xf32>
    %dot_general3A_219 = tpu.matmul %div3A_217, %add3A_58, %dot_general3A_218 {dimension_numbers = #tpu.dot_dimension_numbers<[1], [0], [0], [1], [0, 0, 1, 1], [], []>, transpose_lhs_hint = false} : vector<256x2048xf32>, vector<2048x64xf32>, vector<256x64xf32> -> vector<256x64xf32>
    %get3A_220 = arith.constant 0 : index
    %get3A_221 = arith.constant 0 : index
    %get3A_222 = vector.load %arg11[%get3A_220, %get3A_221] : memref<64x192xf32, #tpu.memory_space<vmem>>, vector<64x192xf32>
    %dot_general3A_223 = arith.constant dense<0.000000e+00> : vector<256x192xf32>
    %dot_general3A_224 = tpu.matmul %dot_general3A_219, %get3A_222, %dot_general3A_223 {dimension_numbers = #tpu.dot_dimension_numbers<[1], [0], [0], [1], [0, 0, 1, 1], [], []>, transpose_lhs_hint = false} : vector<256x64xf32>, vector<64x192xf32>, vector<256x192xf32> -> vector<256x192xf32>
    %get3A_225 = arith.constant 0 : index
    %get3A_226 = vector.load %arg12[%get3A_225] : memref<192xf32, #tpu.memory_space<vmem>>, vector<192xf32>
    %broadcast_in_dim3A_227 = vector.shape_cast %get3A_226 : vector<192xf32> to vector<1x192xf32>
    %add3A_228 = vector.broadcast %broadcast_in_dim3A_227 : vector<1x192xf32> to vector<256x192xf32>
    %add3A_229 = arith.addf %dot_general3A_224, %add3A_228 : vector<256x192xf32>
    %get3A_230 = arith.constant 0 : index
    %get3A_231 = arith.constant 1024 : index
    %get3A_232 = vector.load %arg13[%get3A_230, %get3A_231] : memref<1x2048xf32, #tpu.memory_space<vmem>>, vector<1x256xf32>
    %dot_general3A_233 = arith.constant dense<0.000000e+00> : vector<1x192xf32>
    %dot_general3A_234 = tpu.matmul %get3A_232, %add3A_229, %dot_general3A_233 {dimension_numbers = #tpu.dot_dimension_numbers<[1], [0], [0], [1], [0, 0, 1, 1], [], []>, transpose_lhs_hint = false} : vector<1x256xf32>, vector<256x192xf32>, vector<1x192xf32> -> vector<1x192xf32>
    %add3A_235 = arith.addf %add3A_200, %dot_general3A_234 : vector<1x192xf32>
    %slice3A_236 = vector.extract_strided_slice %add3A_38 {offsets = [1280, 0], sizes = [256, 64], strides = [1, 1]} : vector<2048x64xf32> to vector<256x64xf32>
    %dot_general3A_237 = arith.constant dense<0.000000e+00> : vector<256x2048xf32>
    %dot_general3A_238 = tpu.matmul %slice3A_236, %add3A_48, %dot_general3A_237 {dimension_numbers = #tpu.dot_dimension_numbers<[1], [1], [0], [0], [0, 0, 1, 0], [], []>, transpose_lhs_hint = false} : vector<256x64xf32>, vector<2048x64xf32>, vector<256x2048xf32> -> vector<256x2048xf32>
    %mul3A_239 = arith.constant 1.250000e-01 : f32
    %mul3A_240 = vector.broadcast %mul3A_239 : f32 to vector<256x2048xf32>
    %mul3A_241 = arith.mulf %dot_general3A_238, %mul3A_240 : vector<256x2048xf32>
    %reduce_max3A_242 = arith.constant dense<0xFF800000> : vector<256xf32>
    %reduce_max3A_243 = vector.multi_reduction <maximumf>, %mul3A_241, %reduce_max3A_242 [1] : vector<256x2048xf32> to vector<256xf32>
    %broadcast_in_dim3A_244 = vector.shape_cast %reduce_max3A_243 : vector<256xf32> to vector<256x1xf32>
    %sub3A_245 = vector.broadcast %broadcast_in_dim3A_244 : vector<256x1xf32> to vector<256x2048xf32>
    %sub3A_246 = arith.subf %mul3A_241, %sub3A_245 : vector<256x2048xf32>
    %exp3A_247 = math.exp %sub3A_246 : vector<256x2048xf32>
    %reduce_sum3A_248 = arith.constant dense<0.000000e+00> : vector<256xf32>
    %reduce_sum3A_249 = vector.multi_reduction <add>, %exp3A_247, %reduce_sum3A_248 [1] : vector<256x2048xf32> to vector<256xf32>
    %broadcast_in_dim3A_250 = vector.shape_cast %reduce_sum3A_249 : vector<256xf32> to vector<256x1xf32>
    %div3A_251 = vector.broadcast %broadcast_in_dim3A_250 : vector<256x1xf32> to vector<256x2048xf32>
    %div3A_252 = arith.divf %exp3A_247, %div3A_251 : vector<256x2048xf32>
    %dot_general3A_253 = arith.constant dense<0.000000e+00> : vector<256x64xf32>
    %dot_general3A_254 = tpu.matmul %div3A_252, %add3A_58, %dot_general3A_253 {dimension_numbers = #tpu.dot_dimension_numbers<[1], [0], [0], [1], [0, 0, 1, 1], [], []>, transpose_lhs_hint = false} : vector<256x2048xf32>, vector<2048x64xf32>, vector<256x64xf32> -> vector<256x64xf32>
    %get3A_255 = arith.constant 0 : index
    %get3A_256 = arith.constant 0 : index
    %get3A_257 = vector.load %arg11[%get3A_255, %get3A_256] : memref<64x192xf32, #tpu.memory_space<vmem>>, vector<64x192xf32>
    %dot_general3A_258 = arith.constant dense<0.000000e+00> : vector<256x192xf32>
    %dot_general3A_259 = tpu.matmul %dot_general3A_254, %get3A_257, %dot_general3A_258 {dimension_numbers = #tpu.dot_dimension_numbers<[1], [0], [0], [1], [0, 0, 1, 1], [], []>, transpose_lhs_hint = false} : vector<256x64xf32>, vector<64x192xf32>, vector<256x192xf32> -> vector<256x192xf32>
    %get3A_260 = arith.constant 0 : index
    %get3A_261 = vector.load %arg12[%get3A_260] : memref<192xf32, #tpu.memory_space<vmem>>, vector<192xf32>
    %broadcast_in_dim3A_262 = vector.shape_cast %get3A_261 : vector<192xf32> to vector<1x192xf32>
    %add3A_263 = vector.broadcast %broadcast_in_dim3A_262 : vector<1x192xf32> to vector<256x192xf32>
    %add3A_264 = arith.addf %dot_general3A_259, %add3A_263 : vector<256x192xf32>
    %get3A_265 = arith.constant 0 : index
    %get3A_266 = arith.constant 1280 : index
    %get3A_267 = vector.load %arg13[%get3A_265, %get3A_266] : memref<1x2048xf32, #tpu.memory_space<vmem>>, vector<1x256xf32>
    %dot_general3A_268 = arith.constant dense<0.000000e+00> : vector<1x192xf32>
    %dot_general3A_269 = tpu.matmul %get3A_267, %add3A_264, %dot_general3A_268 {dimension_numbers = #tpu.dot_dimension_numbers<[1], [0], [0], [1], [0, 0, 1, 1], [], []>, transpose_lhs_hint = false} : vector<1x256xf32>, vector<256x192xf32>, vector<1x192xf32> -> vector<1x192xf32>
    %add3A_270 = arith.addf %add3A_235, %dot_general3A_269 : vector<1x192xf32>
    %slice3A_271 = vector.extract_strided_slice %add3A_38 {offsets = [1536, 0], sizes = [256, 64], strides = [1, 1]} : vector<2048x64xf32> to vector<256x64xf32>
    %dot_general3A_272 = arith.constant dense<0.000000e+00> : vector<256x2048xf32>
    %dot_general3A_273 = tpu.matmul %slice3A_271, %add3A_48, %dot_general3A_272 {dimension_numbers = #tpu.dot_dimension_numbers<[1], [1], [0], [0], [0, 0, 1, 0], [], []>, transpose_lhs_hint = false} : vector<256x64xf32>, vector<2048x64xf32>, vector<256x2048xf32> -> vector<256x2048xf32>
    %mul3A_274 = arith.constant 1.250000e-01 : f32
    %mul3A_275 = vector.broadcast %mul3A_274 : f32 to vector<256x2048xf32>
    %mul3A_276 = arith.mulf %dot_general3A_273, %mul3A_275 : vector<256x2048xf32>
    %reduce_max3A_277 = arith.constant dense<0xFF800000> : vector<256xf32>
    %reduce_max3A_278 = vector.multi_reduction <maximumf>, %mul3A_276, %reduce_max3A_277 [1] : vector<256x2048xf32> to vector<256xf32>
    %broadcast_in_dim3A_279 = vector.shape_cast %reduce_max3A_278 : vector<256xf32> to vector<256x1xf32>
    %sub3A_280 = vector.broadcast %broadcast_in_dim3A_279 : vector<256x1xf32> to vector<256x2048xf32>
    %sub3A_281 = arith.subf %mul3A_276, %sub3A_280 : vector<256x2048xf32>
    %exp3A_282 = math.exp %sub3A_281 : vector<256x2048xf32>
    %reduce_sum3A_283 = arith.constant dense<0.000000e+00> : vector<256xf32>
    %reduce_sum3A_284 = vector.multi_reduction <add>, %exp3A_282, %reduce_sum3A_283 [1] : vector<256x2048xf32> to vector<256xf32>
    %broadcast_in_dim3A_285 = vector.shape_cast %reduce_sum3A_284 : vector<256xf32> to vector<256x1xf32>
    %div3A_286 = vector.broadcast %broadcast_in_dim3A_285 : vector<256x1xf32> to vector<256x2048xf32>
    %div3A_287 = arith.divf %exp3A_282, %div3A_286 : vector<256x2048xf32>
    %dot_general3A_288 = arith.constant dense<0.000000e+00> : vector<256x64xf32>
    %dot_general3A_289 = tpu.matmul %div3A_287, %add3A_58, %dot_general3A_288 {dimension_numbers = #tpu.dot_dimension_numbers<[1], [0], [0], [1], [0, 0, 1, 1], [], []>, transpose_lhs_hint = false} : vector<256x2048xf32>, vector<2048x64xf32>, vector<256x64xf32> -> vector<256x64xf32>
    %get3A_290 = arith.constant 0 : index
    %get3A_291 = arith.constant 0 : index
    %get3A_292 = vector.load %arg11[%get3A_290, %get3A_291] : memref<64x192xf32, #tpu.memory_space<vmem>>, vector<64x192xf32>
    %dot_general3A_293 = arith.constant dense<0.000000e+00> : vector<256x192xf32>
    %dot_general3A_294 = tpu.matmul %dot_general3A_289, %get3A_292, %dot_general3A_293 {dimension_numbers = #tpu.dot_dimension_numbers<[1], [0], [0], [1], [0, 0, 1, 1], [], []>, transpose_lhs_hint = false} : vector<256x64xf32>, vector<64x192xf32>, vector<256x192xf32> -> vector<256x192xf32>
    %get3A_295 = arith.constant 0 : index
    %get3A_296 = vector.load %arg12[%get3A_295] : memref<192xf32, #tpu.memory_space<vmem>>, vector<192xf32>
    %broadcast_in_dim3A_297 = vector.shape_cast %get3A_296 : vector<192xf32> to vector<1x192xf32>
    %add3A_298 = vector.broadcast %broadcast_in_dim3A_297 : vector<1x192xf32> to vector<256x192xf32>
    %add3A_299 = arith.addf %dot_general3A_294, %add3A_298 : vector<256x192xf32>
    %get3A_300 = arith.constant 0 : index
    %get3A_301 = arith.constant 1536 : index
    %get3A_302 = vector.load %arg13[%get3A_300, %get3A_301] : memref<1x2048xf32, #tpu.memory_space<vmem>>, vector<1x256xf32>
    %dot_general3A_303 = arith.constant dense<0.000000e+00> : vector<1x192xf32>
    %dot_general3A_304 = tpu.matmul %get3A_302, %add3A_299, %dot_general3A_303 {dimension_numbers = #tpu.dot_dimension_numbers<[1], [0], [0], [1], [0, 0, 1, 1], [], []>, transpose_lhs_hint = false} : vector<1x256xf32>, vector<256x192xf32>, vector<1x192xf32> -> vector<1x192xf32>
    %add3A_305 = arith.addf %add3A_270, %dot_general3A_304 : vector<1x192xf32>
    %slice3A_306 = vector.extract_strided_slice %add3A_38 {offsets = [1792, 0], sizes = [256, 64], strides = [1, 1]} : vector<2048x64xf32> to vector<256x64xf32>
    %dot_general3A_307 = arith.constant dense<0.000000e+00> : vector<256x2048xf32>
    %dot_general3A_308 = tpu.matmul %slice3A_306, %add3A_48, %dot_general3A_307 {dimension_numbers = #tpu.dot_dimension_numbers<[1], [1], [0], [0], [0, 0, 1, 0], [], []>, transpose_lhs_hint = false} : vector<256x64xf32>, vector<2048x64xf32>, vector<256x2048xf32> -> vector<256x2048xf32>
    %mul3A_309 = arith.constant 1.250000e-01 : f32
    %mul3A_310 = vector.broadcast %mul3A_309 : f32 to vector<256x2048xf32>
    %mul3A_311 = arith.mulf %dot_general3A_308, %mul3A_310 : vector<256x2048xf32>
    %reduce_max3A_312 = arith.constant dense<0xFF800000> : vector<256xf32>
    %reduce_max3A_313 = vector.multi_reduction <maximumf>, %mul3A_311, %reduce_max3A_312 [1] : vector<256x2048xf32> to vector<256xf32>
    %broadcast_in_dim3A_314 = vector.shape_cast %reduce_max3A_313 : vector<256xf32> to vector<256x1xf32>
    %sub3A_315 = vector.broadcast %broadcast_in_dim3A_314 : vector<256x1xf32> to vector<256x2048xf32>
    %sub3A_316 = arith.subf %mul3A_311, %sub3A_315 : vector<256x2048xf32>
    %exp3A_317 = math.exp %sub3A_316 : vector<256x2048xf32>
    %reduce_sum3A_318 = arith.constant dense<0.000000e+00> : vector<256xf32>
    %reduce_sum3A_319 = vector.multi_reduction <add>, %exp3A_317, %reduce_sum3A_318 [1] : vector<256x2048xf32> to vector<256xf32>
    %broadcast_in_dim3A_320 = vector.shape_cast %reduce_sum3A_319 : vector<256xf32> to vector<256x1xf32>
    %div3A_321 = vector.broadcast %broadcast_in_dim3A_320 : vector<256x1xf32> to vector<256x2048xf32>
    %div3A_322 = arith.divf %exp3A_317, %div3A_321 : vector<256x2048xf32>
    %dot_general3A_323 = arith.constant dense<0.000000e+00> : vector<256x64xf32>
    %dot_general3A_324 = tpu.matmul %div3A_322, %add3A_58, %dot_general3A_323 {dimension_numbers = #tpu.dot_dimension_numbers<[1], [0], [0], [1], [0, 0, 1, 1], [], []>, transpose_lhs_hint = false} : vector<256x2048xf32>, vector<2048x64xf32>, vector<256x64xf32> -> vector<256x64xf32>
    %get3A_325 = arith.constant 0 : index
    %get3A_326 = arith.constant 0 : index
    %get3A_327 = vector.load %arg11[%get3A_325, %get3A_326] : memref<64x192xf32, #tpu.memory_space<vmem>>, vector<64x192xf32>
    %dot_general3A_328 = arith.constant dense<0.000000e+00> : vector<256x192xf32>
    %dot_general3A_329 = tpu.matmul %dot_general3A_324, %get3A_327, %dot_general3A_328 {dimension_numbers = #tpu.dot_dimension_numbers<[1], [0], [0], [1], [0, 0, 1, 1], [], []>, transpose_lhs_hint = false} : vector<256x64xf32>, vector<64x192xf32>, vector<256x192xf32> -> vector<256x192xf32>
    %get3A_330 = arith.constant 0 : index
    %get3A_331 = vector.load %arg12[%get3A_330] : memref<192xf32, #tpu.memory_space<vmem>>, vector<192xf32>
    %broadcast_in_dim3A_332 = vector.shape_cast %get3A_331 : vector<192xf32> to vector<1x192xf32>
    %add3A_333 = vector.broadcast %broadcast_in_dim3A_332 : vector<1x192xf32> to vector<256x192xf32>
    %add3A_334 = arith.addf %dot_general3A_329, %add3A_333 : vector<256x192xf32>
    %get3A_335 = arith.constant 0 : index
    %get3A_336 = arith.constant 1792 : index
    %get3A_337 = vector.load %arg13[%get3A_335, %get3A_336] : memref<1x2048xf32, #tpu.memory_space<vmem>>, vector<1x256xf32>
    %dot_general3A_338 = arith.constant dense<0.000000e+00> : vector<1x192xf32>
    %dot_general3A_339 = tpu.matmul %get3A_337, %add3A_334, %dot_general3A_338 {dimension_numbers = #tpu.dot_dimension_numbers<[1], [0], [0], [1], [0, 0, 1, 1], [], []>, transpose_lhs_hint = false} : vector<1x256xf32>, vector<256x192xf32>, vector<1x192xf32> -> vector<1x192xf32>
    %add3A_340 = arith.addf %add3A_305, %dot_general3A_339 : vector<1x192xf32>
    %get3A_341 = arith.constant 0 : index
    %get3A_342 = vector.load %arg14[%get3A_341] : memref<1xf32, #tpu.memory_space<vmem>>, vector<1xf32>
    %get3A_343 = vector.extract %get3A_342[0] : f32 from vector<1xf32>
    %add3A_344 = vector.broadcast %get3A_343 : f32 to vector<1x192xf32>
    %add3A_345 = arith.addf %add3A_340, %add3A_344 : vector<1x192xf32>
    %dot_general3A_346 = arith.constant dense<0.000000e+00> : vector<1x1xf32>
    %dot_general3A_347 = tpu.matmul %add3A_345, %get3A_61, %dot_general3A_346 {dimension_numbers = #tpu.dot_dimension_numbers<[1], [0], [0], [1], [0, 0, 1, 1], [], []>, transpose_lhs_hint = false} : vector<1x192xf32>, vector<192x1xf32>, vector<1x1xf32> -> vector<1x1xf32>
    %squeeze3A = vector.extract %dot_general3A_347[0, 0] : f32 from vector<1x1xf32>
    %get3A_348 = arith.constant 0 : index
    %get3A_349 = vector.load %arg16[%get3A_348] : memref<1xf32, #tpu.memory_space<vmem>>, vector<1xf32>
    %get3A_350 = vector.extract %get3A_349[0] : f32 from vector<1xf32>
    %add3A_351 = arith.addf %squeeze3A, %get3A_350 : f32
    %broadcast_in_dim3A_352 = vector.broadcast %add3A_351 : f32 to vector<8x128xf32>
    %swap3A = arith.constant 0 : index
    %swap3A_353 = arith.constant 0 : index
    %swap3A_354 = arith.constant 0 : index
    %swap3A_355 = vector.load %arg17[%swap3A, %swap3A_353, %swap3A_354] : memref<1x8x128xf32, #tpu.memory_space<vmem>>, vector<1x8x128xf32>
    %swap3A_356 = vector.shape_cast %swap3A_355 : vector<1x8x128xf32> to vector<8x128xf32>
    %swap3A_357 = vector.shape_cast %broadcast_in_dim3A_352 : vector<8x128xf32> to vector<1x8x128xf32>
    tpu.vector_store %arg17[%swap3A, %swap3A_353, %swap3A_354], %swap3A_357 {strides = array<i32>} : memref<1x8x128xf32, #tpu.memory_space<vmem>>, vector<1x8x128xf32>,
    return
  }
  func.func @transform_0(%arg0: i32) -> (i32, i32, i32) {
    %c0_i32 = arith.constant 0 : i32
    %c0_i32_0 = arith.constant 0 : i32
    %c0_i32_1 = arith.constant 0 : i32
    return %arg0, %c0_i32, %c0_i32_0 : i32, i32, i32
  }
  func.func @transform_1(%arg0: i32) -> (i32, i32, i32) {
    %c0_i32 = arith.constant 0 : i32
    %c0_i32_0 = arith.constant 0 : i32
    %c0_i32_1 = arith.constant 0 : i32
    return %arg0, %c0_i32, %c0_i32_0 : i32, i32, i32
  }
  func.func @transform_2(%arg0: i32) -> i32 {
    %c0_i32 = arith.constant 0 : i32
    %c0_i32_0 = arith.constant 0 : i32
    return %c0_i32 : i32
  }
  func.func @transform_3(%arg0: i32) -> (i32, i32) {
    %c0_i32 = arith.constant 0 : i32
    %c0_i32_0 = arith.constant 0 : i32
    %c0_i32_1 = arith.constant 0 : i32
    return %c0_i32, %c0_i32_0 : i32, i32
  }
  func.func @transform_4(%arg0: i32) -> (i32, i32) {
    %c0_i32 = arith.constant 0 : i32
    %c0_i32_0 = arith.constant 0 : i32
    %c0_i32_1 = arith.constant 0 : i32
    return %c0_i32, %c0_i32_0 : i32, i32
  }
  func.func @transform_5(%arg0: i32) -> i32 {
    %c0_i32 = arith.constant 0 : i32
    %c0_i32_0 = arith.constant 0 : i32
    return %c0_i32 : i32
  }
  func.func @transform_6(%arg0: i32) -> (i32, i32) {
    %c0_i32 = arith.constant 0 : i32
    %c0_i32_0 = arith.constant 0 : i32
    %c0_i32_1 = arith.constant 0 : i32
    return %c0_i32, %c0_i32_0 : i32, i32
  }
  func.func @transform_7(%arg0: i32) -> i32 {
    %c0_i32 = arith.constant 0 : i32
    %c0_i32_0 = arith.constant 0 : i32
    return %c0_i32 : i32
  }
  func.func @transform_8(%arg0: i32) -> (i32, i32) {
    %c0_i32 = arith.constant 0 : i32
    %c0_i32_0 = arith.constant 0 : i32
    %c0_i32_1 = arith.constant 0 : i32
    return %c0_i32, %c0_i32_0 : i32, i32
  }
  func.func @transform_9(%arg0: i32) -> i32 {
    %c0_i32 = arith.constant 0 : i32
    %c0_i32_0 = arith.constant 0 : i32
    return %c0_i32 : i32
  }
  func.func @transform_10(%arg0: i32) -> (i32, i32) {
    %c0_i32 = arith.constant 0 : i32
    %c0_i32_0 = arith.constant 0 : i32
    %c0_i32_1 = arith.constant 0 : i32
    return %c0_i32, %c0_i32_0 : i32, i32
  }
  func.func @transform_11(%arg0: i32) -> i32 {
    %c0_i32 = arith.constant 0 : i32
    %c0_i32_0 = arith.constant 0 : i32
    return %c0_i32 : i32
  }
  func.func @transform_12(%arg0: i32) -> (i32, i32) {
    %c0_i32 = arith.constant 0 : i32
    %c0_i32_0 = arith.constant 0 : i32
    %c0_i32_1 = arith.constant 0 : i32
    return %c0_i32, %c0_i32_0 : i32, i32
  }
  func.func @transform_13(%arg0: i32) -> i32 {
    %c0_i32 = arith.constant 0 : i32
    %c0_i32_0 = arith.constant 0 : i32
    return %c0_i32 : i32
  }
  func.func @transform_14(%arg0: i32) -> (i32, i32) {
    %c0_i32 = arith.constant 0 : i32
    %c0_i32_0 = arith.constant 0 : i32
    %c0_i32_1 = arith.constant 0 : i32
    return %c0_i32, %c0_i32_0 : i32, i32
  }
  func.func @transform_15(%arg0: i32) -> i32 {
    %c0_i32 = arith.constant 0 : i32
    %c0_i32_0 = arith.constant 0 : i32
    return %c0_i32 : i32
  }
  func.func @transform_16(%arg0: i32) -> (i32, i32, i32) {
    %c0_i32 = arith.constant 0 : i32
    %c0_i32_0 = arith.constant 0 : i32
    %c0_i32_1 = arith.constant 0 : i32
    return %arg0, %c0_i32, %c0_i32_0 : i32, i32, i32
  }
}

</mosaic_0001>

<sc_bundles>
// kernel: kernel.12.cloned.1.call-start
scs
__scs_entry_jumppad:
0x0: {  	(pc) =	sbr.rel $0x88, $3  }
0x1: {  	(tag) =	ssettag $0x0;
	lr =	simm.s32 $0x1  }
0x2: {  	[smem:$0x3F7D] =	sst lr;
	_ =	strace $0xD0000000  }
0x3: {  	_ = 	snop  }
0x4: {  	_ = 	snop  }
0x5: {  	_ = 	snop  }
0x6: {  	_ = 	snop  }
0x7: {  	_ = 	snop  }
__scs_overlays_trampoline_lowered:
0x8: {  	[smem:$0x3F8C] =	sst s0  }
0x9: {  	[smem:$0x3F8D] =	sst s1  }
0xa: {  	[smem:$0x3F8E] =	sst s2  }
0xb: {  	[smem:$0x3F8F] =	sst s3  }
0xc: {  	[smem:$0x3F90] =	sst s4  }
0xd: {  	[smem:$0x3F91] =	sst s5  }
0xe: {  	[smem:$0x3F92] =	sst s6  }
0xf: {  	[smem:$0x3F93] =	sst s7  }
0x10: {  	[smem:$0x3F94] =	sst s8  }
0x11: {  	[smem:$0x3F95] =	sst s9;
	s0 =	simm.s32 @!p0 $0x0  }
0x12: {  	s1 =	sld [smem:$0x3F7B];
	s0 =	simm.s32 @p0 $0x1  }
0x13: {  	[smem:$0x3F96] =	sst s0;
	s0 =	simm.s32 @!p1 $0x0  }
0x14: {  	s2 =	sld [smem:$0x3F7A];
	s0 =	simm.s32 @p1 $0x1  }
0x15: {  	[smem:$0x3F97] =	sst s0;
	s0 =	simm.s32 @!p2 $0x0  }
0x16: {  	s3 =	sld [smem:$0x3FDB];
	s0 =	simm.s32 @p2 $0x1  }
0x17: {  	s4 =	simm.s32 $0x1BF5;
	[smem:$0x3F99] =	sst s0  }
0x18: {  	s0 =	sld [smem:$0x3F7C];
	_ =	swait.ge [sflag:s4], $0x0  }
0x19: {  	s7 =	sld [smem:$0x3F7D]  }
0x1a: {  	s8 =	sadd.s32 $0xFFFFE003, lr  }
0x1b: {  	s9 =	sadd.s32 $0xFFFFFEF7, lr;
	s5 =	simm.s32 $0xFFFFFFFF;
	p2 =	slt.u32 s8, $0xFFFFF086  }
0x1c: {  	p1 =	slt.u32 s9, $0xF7A;
	s5 =	simm.s32 @!p2 $0x0  }
0x1d: {  	s5 =	simm.s32 @p1 $0x1;
	p0 =	seq.s32 s7, s2  }
0x1e: {  	s7 =	smul.u32 @!p0 $0xF7A, s2;
	p2 =	seq.s32 @!p0 s5, $0x0  }
0x1f: {  	s9 =	smul.u32 $0xF7A, s1;
	s8 =	simm.s32 @!p0 $0x1BF5;
	p2 =	por !p2, p0  }
0x20: {  	[sflag:s8] =	ssyncset.s32 @!p0 $0xFFFFF086;
	s6 =	sadd.s32 @!p0 s3, s7;
	s7 =	simm.s32 @!p0 $0x108  }
0x21: {  	s3 =	sadd.s32 s3, s9;
	s6 =	sadd.s32 @!p0 $0x88, s6;
	s7 =	simm.s32 @p2 $0x1082  }
0x22: {  	[simem:s7], [sflag:s8] =	dma.local @!p0 [hbm:s6], $0xF7A  }
0x23: {  	s9 =	sor.u32 $0xD0000000, s2;
	s6 =	simm.s32 $0x108;
	_ =	swait.ge @!p0 [sflag:s8], $0x0  }
0x24: {  	s3 =	sadd.s32 $0x88, s3;
	s6 =	simm.s32 @!p1 $0x1082;
	[sflag:s4] =	ssyncset.s32 $0xFFFFF086  }
0x25: {  	[simem:s6], [sflag:s4] =	dma.local [hbm:s3], $0xF7A  }
0x26: {  	[smem:$0x3F7D] =	sst s1;
	(tag) =	ssettag s2;
	_ =	strace s9  }
0x27: {  	s1 =	sld [smem:$0x3F8D]  }
0x28: {  	s2 =	sld [smem:$0x3F8E]  }
0x29: {  	s4 =	sld [smem:$0x3F90]  }
0x2a: {  	p0 =	seq.s32 s5, $0x0;
	s5 =	sld [smem:$0x3F91]  }
0x2b: {  	s6 =	sld [smem:$0x3F92]  }
0x2c: {  	s7 =	sld [smem:$0x3F93]  }
0x2d: {  	s3 =	simm.s32 $0x108;
	s8 =	sld [smem:$0x3F94]  }
0x2e: {  	s3 =	simm.s32 @!p0 $0x1082;
	s9 =	sld [smem:$0x3F95]  }
0x2f: {  	lr =	sadd.s32 s0, s3;
	s0 =	sld [smem:$0x3F8C]  }
0x30: {  	s3 =	sld [smem:$0x3F8F]  }
0x31: {  	[smem:$0x3F98] =	sst s10  }
0x32: {  	s10 =	sld [smem:$0x3F96];
	_ =	sdelay $0x3  }
0x33: {  	p0 =	seq.s32 s10, $0x1;
	s10 =	sld [smem:$0x3F98];
	_ =	sdelay $0x3  }
0x34: {  	[smem:$0x3F98] =	sst s10  }
0x35: {  	s10 =	sld [smem:$0x3F97];
	_ =	sdelay $0x3  }
0x36: {  	p1 =	seq.s32 s10, $0x1;
	s10 =	sld [smem:$0x3F98];
	_ =	sdelay $0x3  }
0x37: {  	[smem:$0x3F98] =	sst s10  }
0x38: {  	s10 =	sld [smem:$0x3F99]  }
0x39: {  	_ = 	snop;
	(pc) =	sbr.ind lr, $3  }
0x3a: {  	_ = 	snop  }
0x3b: {  	_ = 	snop  }
0x3c: {  	p2 =	seq.s32 s10, $0x1;
	s10 =	sld [smem:$0x3F98]  }
0x3d: {  	_ =	shalt  }
0x3e: {  	_ =	shalt  }
0x3f: {  	_ =	shalt  }
0x40: {  	_ =	shalt  }
0x41: {  	_ =	shalt  }
0x42: {  	_ =	shalt  }
0x43: {  	_ =	shalt  }
0x44: {  	_ =	shalt  }
0x45: {  	_ =	shalt  }
0x46: {  	_ =	shalt  }
0x47: {  	_ =	shalt  }
0x48: {  	_ =	shalt  }
0x49: {  	_ =	shalt  }
0x4a: {  	_ =	shalt  }
0x4b: {  	_ =	shalt  }
0x4c: {  	_ =	shalt  }
0x4d: {  	_ =	shalt  }
0x4e: {  	_ =	shalt  }
0x4f: {  	_ =	shalt  }
0x50: {  	_ =	shalt  }
0x51: {  	_ =	shalt  }
0x52: {  	_ =	shalt  }
0x53: {  	_ =	shalt  }
0x54: {  	_ =	shalt  }
0x55: {  	_ =	shalt  }
0x56: {  	_ =	shalt  }
0x57: {  	_ =	shalt  }
0x58: {  	_ =	shalt  }
0x59: {  	_ =	shalt  }
0x5a: {  	_ =	shalt  }
0x5b: {  	_ =	shalt  }
0x5c: {  	_ =	shalt  }
0x5d: {  	_ =	shalt  }
0x5e: {  	_ =	shalt  }
0x5f: {  	_ =	shalt  }
0x60: {  	_ =	shalt  }
0x61: {  	_ =	shalt  }
0x62: {  	_ =	shalt  }
0x63: {  	_ =	shalt  }
0x64: {  	_ =	shalt  }
0x65: {  	_ =	shalt  }
0x66: {  	_ =	shalt  }
0x67: {  	_ =	shalt  }
0x68: {  	_ =	shalt  }
0x69: {  	_ =	shalt  }
0x6a: {  	_ =	shalt  }
0x6b: {  	_ =	shalt  }
0x6c: {  	_ =	shalt  }
0x6d: {  	_ =	shalt  }
0x6e: {  	_ =	shalt  }
0x6f: {  	_ =	shalt  }
0x70: {  	_ =	shalt  }
0x71: {  	_ =	shalt  }
0x72: {  	_ =	shalt  }
0x73: {  	_ =	shalt  }
0x74: {  	_ =	shalt  }
0x75: {  	_ =	shalt  }
0x76: {  	_ =	shalt  }
0x77: {  	_ =	shalt  }
0x78: {  	_ =	shalt  }
0x79: {  	_ =	shalt  }
0x7a: {  	_ =	shalt  }
0x7b: {  	_ =	shalt  }
0x7c: {  	_ =	shalt  }
0x7d: {  	_ =	shalt  }
0x7e: {  	_ =	shalt  }
0x7f: {  	_ =	shalt  }
0x80: {  	_ =	shalt  }
0x81: {  	_ =	shalt  }
0x82: {  	_ =	shalt  }
0x83: {  	_ =	shalt  }
0x84: {  	_ =	shalt  }
0x85: {  	_ =	shalt  }
0x86: {  	_ =	shalt  }
0x87: {  	_ =	shalt  }
.Lfunc_end0:
.L_simem_size_0:
called_computation.1_lowered:
.L_overlay_start_0:
0x88: {  	s2 =	sld [smem:$0x3FD9]  }
0x89: {  	s3 =	sld [smem:$0x3FFE];
	_ =	sdelay $0x1  }
0x8a: {  	s1 =	srdreg.scid  }
0x8b: {  	s0 =	sand.u32 $0x1, s1  }
0x8c: {  	s16 =	sshll.u32 s0, $0xA;
	s2 =	sadd.s32 s3, s2  }
0x8d: {  	s2 =	sadd.s32 s2, s16  }
0x8e: {  	[smem:$0x3FA4] =	sst s2  }
0x8f: {  	_ = 	snop  }
0x90: {  	(tm) =	ssettm $0x1  }
0x91: {  	s17 =	sld [smem:$0x3FFB];
	_ =	sdelay $0x3  }
0x92: {  	_ =	strace s17  }
0x93: {  	s2 =	sld [smem:$0x3FFC];
	_ =	sdelay $0x3  }
0x94: {  	_ =	strace s2  }
0x95: {  	s2 =	sld [smem:$0x3FFD];
	_ =	sdelay $0x3  }
0x96: {  	_ =	strace s2  }
0x97: {  	_ =	strace $0x8FFFFFFF  }
0x98: {  	s18 =	sld [smem:$0x3FDB];
	_ =	sdelay $0x1  }
0x99: {  	s19 =	simm.s32 $_scs_section_size  }
0x9a: {  	s4 =	simm.s32 $_size__tile_overlayer_lowered;
	s5 =	simm.s32 $_tile_overlayer_lowered  }
0x9b: {  	s22 =	simm.s32 $0x1BFF;
	s21 =	sshll.u32 s5, $0x1;
	s2 =	sadd.s32 s19, s18  }
0x9c: {  	s6 =	simm.s32 $0x0;
	s20 =	sshll.u32 s4, $0x1;
	s4 =	sadd.s32 s21, s2  }
0x9d: {  	[timem:s6], [sflag:s22] =	dma.local [hbm:s4], s20  }
0x9e: {  	_ =	swait.ge [sflag:s22], s20  }
0x9f: {  	s3 =	ssub.s32 $0x0, s20;
	[sflag:s22] =	ssyncset.done $0x0  }
0xa0: {  	[sflag:s22] =	ssyncadd.s32 s3;
	_ =	sdelay $0x1  }
0xa1: {  	s23 =	simm.s32 $0x1B8B  }
0xa2: {  	_ =	swait.ge [sflag:s23], $0x1  }
0xa3: {  	[sflag:s23] =	ssyncset.done $0x0  }
0xa4: {  	s25 =	simm.s32 $0x1B8E;
	s24 =	sld [smem:$0x3FFE];
	[sflag:s23] =	ssyncadd.s32 $0xFFFFFFFF  }
0xa5: {  	s26 =	simm.s32 $execute0_lowered;
	[smem:$0x3FD2] =	sst s25  }
0xa6: {  	s4 =	sshll.u32 s26, $0x1;
	_ =	strace $0x80000049;
	[dreg:$0x1] =	wrdreg $0xFFFFFFFF  }
0xa7: {  	s28 =	simm.s32 $_size_execute0_lowered;
	s2 =	sadd.s32 s2, s4;
	[dreg:$0x0] =	wrdreg $0x0  }
0xa8: {  	s4 =	sshll.u32 s28, $0x1;
	[dreg:$0x2] =	wrdreg s2  }
0xa9: {  	[dreg:$0x3] =	wrdreg s4  }
0xaa: {  	[dreg:$0x4] =	wrdreg $0xC0  }
0xab: {  	_ =	task [dreg:s6], $0x5FFFF  }
0xac: {  	[dreg:$0x1] =	wrdreg $0xFFFFFFFF  }
0xad: {  	[dreg:$0x0] =	wrdreg $0x60  }
0xae: {  	[dreg:$0x2] =	wrdreg s24  }
0xaf: {  	[dreg:$0x3] =	wrdreg $0x9  }
0xb0: {  	_ =	task.clear_ibuf [dreg:s6], $0x4FFFF;
	_ =	strace $0x90000049  }
0xb1: {  	s29 =	simm.s32 $0x9;
	_ =	strace $0x8000004B  }
0xb2: {  	_ =	swait.ge [sflag:s29], $0x1  }
0xb3: {  	[sflag:s29] =	ssyncadd.s32 $0xFFFFFFFF  }
0xb4: {  	_ =	strace $0x9000004B  }
0xb5: {  	_ =	sfence  }
0xb6: {  	s30 =	sld [smem:$0x0];
	_ =	sdelay $0x2  }
0xb7: {  	s31 =	sshll.u32 s1, $0xD;
	s1 =	sshrl.u32 s1, $0x2  }
0xb8: {  	s3 =	sand.u32 $0x4000, s31;
	s1 =	sadd.s32 s1, s30  }
0xb9: {  	s0 =	sor.u32 s3, s0;
	s1 =	sshll.u32 s1, $0x11  }
0xba: {  	s0 =	sor.u32 s1, s0  }
0xbb: {  	s0 =	sadd.s32 $0x8F2B, s0  }
0xbc: {  	[sflag:s0] =	ssyncadd.remote.s32 $0x1  }
0xbd: {  	_ =	sfence.sel $0xFFFF  }
0xbe: {  	[dreg:$0x0] =	wrdreg $0xFFFFFFFF;
	(pc) =	sbr.abs _section_cstart, $3  }
0xbf: {  	[dreg:$0x1] =	wrdreg $0xFFFFFFFF  }
0xc0: {  	_ =	task.clear_ibuf [dreg:s6], $0x2FFFF;
	_ =	strace $0x9FFFFFFF  }
0xc1: {  	(tm) =	ssettm $0x7FFFFFFF  }
tec
execute0_lowered:
.L_overlay_start_1:
0x0: {  	(tag) =	ssettag $0x1  }
0x1: {  	s0 =	srdreg.scid;
	s5 =	stileid.u32  }
0x2: {  	s1 =	rddreg [dreg:$0x0];
	s2 =	simm.s32 $0x0;
	s15 =	simm.s32 $0x900  }
0x3: {  	s17 =	simm.s32 $0x1100;
	s18 =	simm.s32 $0x1900;
	s19 =	simm.s32 $0x2100  }
0x4: {  	s21 =	simm.s32 $0x2900;
	s22 =	simm.s32 $0x3100;
	s23 =	simm.s32 $0x3900  }
0x5: {  	s24 =	simm.s32 $0x4100;
	s25 =	simm.s32 $0x4900;
	[smem:$0x7FF] =	sst s2  }
0x6: {  	s7 =	simm.s32 $0x100;
	_ =	strace $0x8000004A;
	[dreg:$0x3] =	wrdreg s15  }
0x7: {  	s26 =	simm.s32 $0x5100;
	s8 =	simm.s32 $0x5900;
	[dreg:$0x4] =	wrdreg s17  }
0x8: {  	s9 =	simm.s32 $0x6100;
	s10 =	simm.s32 $0x6900;
	[dreg:$0x5] =	wrdreg s18  }
0x9: {  	s11 =	simm.s32 $0x7100;
	s12 =	simm.s32 $0x7900;
	[dreg:$0x6] =	wrdreg s19  }
0xa: {  	s13 =	simm.s32 $0x8100;
	s28 =	simm.s32 $0xF100;
	[dreg:$0x7] =	wrdreg s21  }
0xb: {  	s29 =	simm.s32 $0xF900;
	s30 =	simm.s32 $0x1;
	[dreg:$0x8] =	wrdreg s22  }
0xc: {  	s31 =	simm.s32 $0x0;
	s0 =	sand.u32 $0x1, s0;
	[dreg:$0x9] =	wrdreg s23  }
0xd: {  	s3 =	sshll.u32 s5, $0xC;
	s5 =	sshll.u32 s5, $0x11;
	[dreg:$0xa] =	wrdreg s24  }
0xe: {  	s4 =	sshll.u32 s0, $0xB;
	s16 =	ssub.s32 $0x2, s0;
	[dreg:$0xb] =	wrdreg s25  }
0xf: {  	s0 =	sshll.u32 s0, $0x10;
	[dreg:$0xc] =	wrdreg s26;
	s15 =	simm.s32 $0x9100  }
0x10: {  	s17 =	simm.s32 $0xA100;
	s18 =	simm.s32 $0xA900;
	s19 =	simm.s32 $0xB100  }
0x11: {  	s21 =	simm.s32 $0xC100;
	s22 =	simm.s32 $0xC900;
	s23 =	simm.s32 $0xD100  }
0x12: {  	s24 =	simm.s32 $0xD900;
	s25 =	simm.s32 $0xE100;
	s3 =	sor.u32 s4, s3  }
0x13: {  	s26 =	simm.s32 $0xE900;
	s6 =	sshrl.u32 s16, $0x1;
	s3 =	sshrl.u32 s3, $0x3  }
0x14: {  	s14 =	sadd.s32 s3, s1;
	s3 =	sadd.s32 $0x4E00, s1;
	s1 =	sadd.s32 s5, s1  }
0x15: {  	s5 =	ssub.s32 s16, s6;
	s6 =	simm.s32 $0x2;
	s4 =	sadd.s32 $0x24E00, s14  }
0x16: {  	v2 =	vlaneseq.u32;
	s20 =	smax.u32 s5, $0x1;
	s0 =	sadd.s32 s0, s1;
	[dreg:$0x2] =	wrdreg s4  }
0x17: {  	vm0 =	vmmov $0xffff;
	v1 =	vshrl.u32 v2, $0x3;
	s16 =	simm.s32 $0x9900;
	[dreg:$0xd] =	wrdreg s20;
	s0 =	sadd.s32 $0x26E00, s0  }
0x18: {  	v0 =	vand.u32 $0x7, v2;
	v2 =	vor.u32 $0x8, v2;
	v1 =	vmul.u32 $0x8, v1;
	s14 =	simm.s32 $0x8900;
	s20 =	simm.s32 $0xB900;
	[dreg:$0xe] =	wrdreg s0  }
.LBB2_1:
0x19: {  	s5 =	rddreg [dreg:$0xe];
	s0 =	simm.s32 $0x0  }
.LBB2_2:
0x1a: {  	s4 =	rddreg [dreg:$0x2]  }
0x1b: {  	s4 =	sadd.s32 s0, s4  }
0x1c: {  	[tilespmem:s2], [sflag:$0x2] =	stream.linear.gather [hbm4b:s4+s2], $0x100, $0x38;
	[tilespmem:$0x10100] =	vst v63  }
0x1d: {  	_ =	swait.ge [sflag:s6], $0x100  }
0x1e: {  	[sflag:s6] =	ssyncset.done $0x0  }
0x1f: {  	[sflag:s6] =	ssyncadd.s32 $0xFFFFFF00  }
0x20: {  	v3 =	vld [tilespmem:$0x0];
	_ =	sdelay $0x4  }
0x21: {  	v4 =	vshll.u32 v3, $0x1  }
0x22: {  	v3 =	vand.u32 $0x7, v3;
	v4 =	vand.u32 $0xFFFFFFF0, v4  }
0x23: {  	v3 =	vor.u32 v3, v4  }
0x24: {  	v4 =	vperm.xlane v3, v0;
	_ =	sdelay $0x1  }
0x25: {  	v3 =	vperm.xlane v3, v2;
	v4 =	vadd.s32 v1, v4;
	_ =	sdelay $0x1  }
0x26: {  	v3 =	vadd.s32 v1, v3;
	_ =	sdelay $0x2  }
0x27: {  	[tilespmem:s7], [sflag:$0x1] =	stream.indirect_vreg.gather [hbm4b:s3+s2], $0x80, v4, vm0, $0xb8;
	[tilespmem:$0x10100] =	vst v63  }
0x28: {  	s1 =	rddreg [dreg:$0x3]  }
0x29: {  	[tilespmem:s1], [sflag:$0x1] =	stream.indirect_vreg.gather [hbm4b:s3+s2], $0x80, v3, vm0, $0xb8;
	[tilespmem:$0x10100] =	vst v63  }
0x2a: {  	v3 =	vld [tilespmem:$0x10];
	_ =	sdelay $0x4  }
0x2b: {  	v49 =	vshll.u32 v3, $0x1  }
0x2c: {  	v3 =	vand.u32 $0x7, v3;
	v4 =	vand.u32 $0xFFFFFFF0, v49  }
0x2d: {  	v3 =	vor.u32 v3, v4  }
0x2e: {  	v4 =	vperm.xlane v3, v0;
	_ =	sdelay $0x1  }
0x2f: {  	v3 =	vperm.xlane v3, v2;
	v4 =	vadd.s32 v1, v4;
	_ =	sdelay $0x1  }
0x30: {  	v3 =	vadd.s32 v1, v3;
	_ =	sdelay $0x1  }
0x31: {  	s4 =	rddreg [dreg:$0x4]  }
0x32: {  	[tilespmem:s4], [sflag:$0x1] =	stream.indirect_vreg.gather [hbm4b:s3+s2], $0x80, v4, vm0, $0xb8;
	[tilespmem:$0x10100] =	vst v63  }
0x33: {  	s1 =	rddreg [dreg:$0x5]  }
0x34: {  	[tilespmem:s1], [sflag:$0x1] =	stream.indirect_vreg.gather [hbm4b:s3+s2], $0x80, v3, vm0, $0xb8;
	[tilespmem:$0x10100] =	vst v63  }
0x35: {  	v3 =	vld [tilespmem:$0x20];
	_ =	sdelay $0x4  }
0x36: {  	v50 =	vshll.u32 v3, $0x1  }
0x37: {  	v3 =	vand.u32 $0x7, v3;
	v4 =	vand.u32 $0xFFFFFFF0, v50  }
0x38: {  	v3 =	vor.u32 v3, v4  }
0x39: {  	v4 =	vperm.xlane v3, v0;
	_ =	sdelay $0x1  }
0x3a: {  	v3 =	vperm.xlane v3, v2;
	v4 =	vadd.s32 v1, v4;
	_ =	sdelay $0x1  }
0x3b: {  	v3 =	vadd.s32 v1, v3;
	_ =	sdelay $0x1  }
0x3c: {  	s1 =	rddreg [dreg:$0x6]  }
0x3d: {  	[tilespmem:s1], [sflag:$0x1] =	stream.indirect_vreg.gather [hbm4b:s3+s2], $0x80, v4, vm0, $0xb8;
	[tilespmem:$0x10100] =	vst v63  }
0x3e: {  	s4 =	rddreg [dreg:$0x7]  }
0x3f: {  	[tilespmem:s4], [sflag:$0x1] =	stream.indirect_vreg.gather [hbm4b:s3+s2], $0x80, v3, vm0, $0xb8;
	[tilespmem:$0x10100] =	vst v63  }
0x40: {  	v3 =	vld [tilespmem:$0x30];
	_ =	sdelay $0x4  }
0x41: {  	v51 =	vshll.u32 v3, $0x1  }
0x42: {  	v3 =	vand.u32 $0x7, v3;
	v4 =	vand.u32 $0xFFFFFFF0, v51  }
0x43: {  	v3 =	vor.u32 v3, v4  }
0x44: {  	v4 =	vperm.xlane v3, v0;
	_ =	sdelay $0x1  }
0x45: {  	v3 =	vperm.xlane v3, v2;
	v4 =	vadd.s32 v1, v4;
	_ =	sdelay $0x1  }
0x46: {  	v3 =	vadd.s32 v1, v3;
	_ =	sdelay $0x1  }
0x47: {  	s1 =	rddreg [dreg:$0x8]  }
0x48: {  	[tilespmem:s1], [sflag:$0x1] =	stream.indirect_vreg.gather [hbm4b:s3+s2], $0x80, v4, vm0, $0xb8;
	[tilespmem:$0x10100] =	vst v63  }
0x49: {  	s4 =	rddreg [dreg:$0x9]  }
0x4a: {  	[tilespmem:s4], [sflag:$0x1] =	stream.indirect_vreg.gather [hbm4b:s3+s2], $0x80, v3, vm0, $0xb8;
	[tilespmem:$0x10100] =	vst v63  }
0x4b: {  	v3 =	vld [tilespmem:$0x40];
	_ =	sdelay $0x4  }
0x4c: {  	v52 =	vshll.u32 v3, $0x1  }
0x4d: {  	v3 =	vand.u32 $0x7, v3;
	v4 =	vand.u32 $0xFFFFFFF0, v52  }
0x4e: {  	v3 =	vor.u32 v3, v4  }
0x4f: {  	v4 =	vperm.xlane v3, v0;
	_ =	sdelay $0x1  }
0x50: {  	v3 =	vperm.xlane v3, v2;
	v4 =	vadd.s32 v1, v4;
	_ =	sdelay $0x1  }
0x51: {  	v3 =	vadd.s32 v1, v3;
	_ =	sdelay $0x1  }
0x52: {  	s1 =	rddreg [dreg:$0xa]  }
0x53: {  	[tilespmem:s1], [sflag:$0x1] =	stream.indirect_vreg.gather [hbm4b:s3+s2], $0x80, v4, vm0, $0xb8;
	[tilespmem:$0x10100] =	vst v63  }
0x54: {  	s4 =	rddreg [dreg:$0xb]  }
0x55: {  	[tilespmem:s4], [sflag:$0x1] =	stream.indirect_vreg.gather [hbm4b:s3+s2], $0x80, v3, vm0, $0xb8;
	[tilespmem:$0x10100] =	vst v63  }
0x56: {  	v3 =	vld [tilespmem:$0x50];
	_ =	sdelay $0x4  }
0x57: {  	v53 =	vshll.u32 v3, $0x1  }
0x58: {  	v3 =	vand.u32 $0x7, v3;
	v4 =	vand.u32 $0xFFFFFFF0, v53  }
0x59: {  	v3 =	vor.u32 v3, v4  }
0x5a: {  	v4 =	vperm.xlane v3, v0;
	_ =	sdelay $0x1  }
0x5b: {  	v3 =	vperm.xlane v3, v2;
	v4 =	vadd.s32 v1, v4;
	_ =	sdelay $0x1  }
0x5c: {  	v3 =	vadd.s32 v1, v3;
	_ =	sdelay $0x1  }
0x5d: {  	s4 =	rddreg [dreg:$0xc]  }
0x5e: {  	[tilespmem:s4], [sflag:$0x1] =	stream.indirect_vreg.gather [hbm4b:s3+s2], $0x80, v4, vm0, $0xb8;
	[tilespmem:$0x10100] =	vst v63  }
0x5f: {  	_ = 	snop  }
0x60: {  	[tilespmem:s8], [sflag:$0x1] =	stream.indirect_vreg.gather [hbm4b:s3+s2], $0x80, v3, vm0, $0xb8;
	[tilespmem:$0x10100] =	vst v63  }
0x61: {  	v3 =	vld [tilespmem:$0x60];
	_ =	sdelay $0x4  }
0x62: {  	v54 =	vshll.u32 v3, $0x1  }
0x63: {  	v3 =	vand.u32 $0x7, v3;
	v4 =	vand.u32 $0xFFFFFFF0, v54  }
0x64: {  	v3 =	vor.u32 v3, v4  }
0x65: {  	v4 =	vperm.xlane v3, v0;
	_ =	sdelay $0x1  }
0x66: {  	v3 =	vperm.xlane v3, v2;
	v4 =	vadd.s32 v1, v4;
	_ =	sdelay $0x1  }
0x67: {  	v3 =	vadd.s32 v1, v3;
	_ =	sdelay $0x2  }
0x68: {  	[tilespmem:s9], [sflag:$0x1] =	stream.indirect_vreg.gather [hbm4b:s3+s2], $0x80, v4, vm0, $0xb8;
	[tilespmem:$0x10100] =	vst v63  }
0x69: {  	_ = 	snop  }
0x6a: {  	[tilespmem:s10], [sflag:$0x1] =	stream.indirect_vreg.gather [hbm4b:s3+s2], $0x80, v3, vm0, $0xb8;
	[tilespmem:$0x10100] =	vst v63  }
0x6b: {  	v3 =	vld [tilespmem:$0x70];
	_ =	sdelay $0x4  }
0x6c: {  	v55 =	vshll.u32 v3, $0x1  }
0x6d: {  	v3 =	vand.u32 $0x7, v3;
	v4 =	vand.u32 $0xFFFFFFF0, v55  }
0x6e: {  	v3 =	vor.u32 v3, v4  }
0x6f: {  	v4 =	vperm.xlane v3, v0;
	_ =	sdelay $0x1  }
0x70: {  	v3 =	vperm.xlane v3, v2;
	v4 =	vadd.s32 v1, v4;
	_ =	sdelay $0x1  }
0x71: {  	v3 =	vadd.s32 v1, v3;
	_ =	sdelay $0x2  }
0x72: {  	[tilespmem:s11], [sflag:$0x1] =	stream.indirect_vreg.gather [hbm4b:s3+s2], $0x80, v4, vm0, $0xb8;
	[tilespmem:$0x10100] =	vst v63  }
0x73: {  	_ = 	snop  }
0x74: {  	[tilespmem:s12], [sflag:$0x1] =	stream.indirect_vreg.gather [hbm4b:s3+s2], $0x80, v3, vm0, $0xb8;
	[tilespmem:$0x10100] =	vst v63  }
0x75: {  	v3 =	vld [tilespmem:$0x80];
	_ =	sdelay $0x4  }
0x76: {  	v56 =	vshll.u32 v3, $0x1  }
0x77: {  	v3 =	vand.u32 $0x7, v3;
	v4 =	vand.u32 $0xFFFFFFF0, v56  }
0x78: {  	v3 =	vor.u32 v3, v4  }
0x79: {  	v4 =	vperm.xlane v3, v0;
	_ =	sdelay $0x1  }
0x7a: {  	v3 =	vperm.xlane v3, v2;
	v4 =	vadd.s32 v1, v4;
	_ =	sdelay $0x1  }
0x7b: {  	v3 =	vadd.s32 v1, v3;
	_ =	sdelay $0x2  }
0x7c: {  	[tilespmem:s13], [sflag:$0x1] =	stream.indirect_vreg.gather [hbm4b:s3+s2], $0x80, v4, vm0, $0xb8;
	[tilespmem:$0x10100] =	vst v63  }
0x7d: {  	_ = 	snop  }
0x7e: {  	[tilespmem:s14], [sflag:$0x1] =	stream.indirect_vreg.gather [hbm4b:s3+s2], $0x80, v3, vm0, $0xb8;
	[tilespmem:$0x10100] =	vst v63  }
0x7f: {  	v3 =	vld [tilespmem:$0x90];
	_ =	sdelay $0x4  }
0x80: {  	v57 =	vshll.u32 v3, $0x1  }
0x81: {  	v3 =	vand.u32 $0x7, v3;
	v4 =	vand.u32 $0xFFFFFFF0, v57  }
0x82: {  	v3 =	vor.u32 v3, v4  }
0x83: {  	v4 =	vperm.xlane v3, v0;
	_ =	sdelay $0x1  }
0x84: {  	v3 =	vperm.xlane v3, v2;
	v4 =	vadd.s32 v1, v4;
	_ =	sdelay $0x1  }
0x85: {  	v3 =	vadd.s32 v1, v3;
	_ =	sdelay $0x2  }
0x86: {  	[tilespmem:s15], [sflag:$0x1] =	stream.indirect_vreg.gather [hbm4b:s3+s2], $0x80, v4, vm0, $0xb8;
	[tilespmem:$0x10100] =	vst v63  }
0x87: {  	_ = 	snop  }
0x88: {  	[tilespmem:s16], [sflag:$0x1] =	stream.indirect_vreg.gather [hbm4b:s3+s2], $0x80, v3, vm0, $0xb8;
	[tilespmem:$0x10100] =	vst v63  }
0x89: {  	v3 =	vld [tilespmem:$0xA0];
	_ =	sdelay $0x4  }
0x8a: {  	v58 =	vshll.u32 v3, $0x1  }
0x8b: {  	v3 =	vand.u32 $0x7, v3;
	v4 =	vand.u32 $0xFFFFFFF0, v58  }
0x8c: {  	v3 =	vor.u32 v3, v4  }
0x8d: {  	v4 =	vperm.xlane v3, v0;
	_ =	sdelay $0x1  }
0x8e: {  	v3 =	vperm.xlane v3, v2;
	v4 =	vadd.s32 v1, v4;
	_ =	sdelay $0x1  }
0x8f: {  	v3 =	vadd.s32 v1, v3;
	_ =	sdelay $0x2  }
0x90: {  	[tilespmem:s17], [sflag:$0x1] =	stream.indirect_vreg.gather [hbm4b:s3+s2], $0x80, v4, vm0, $0xb8;
	[tilespmem:$0x10100] =	vst v63  }
0x91: {  	_ = 	snop  }
0x92: {  	[tilespmem:s18], [sflag:$0x1] =	stream.indirect_vreg.gather [hbm4b:s3+s2], $0x80, v3, vm0, $0xb8;
	[tilespmem:$0x10100] =	vst v63  }
0x93: {  	v3 =	vld [tilespmem:$0xB0];
	_ =	sdelay $0x4  }
0x94: {  	v59 =	vshll.u32 v3, $0x1  }
0x95: {  	v3 =	vand.u32 $0x7, v3;
	v4 =	vand.u32 $0xFFFFFFF0, v59  }
0x96: {  	v3 =	vor.u32 v3, v4  }
0x97: {  	v4 =	vperm.xlane v3, v0;
	_ =	sdelay $0x1  }
0x98: {  	v3 =	vperm.xlane v3, v2;
	v4 =	vadd.s32 v1, v4;
	_ =	sdelay $0x1  }
0x99: {  	v3 =	vadd.s32 v1, v3;
	_ =	sdelay $0x2  }
0x9a: {  	[tilespmem:s19], [sflag:$0x1] =	stream.indirect_vreg.gather [hbm4b:s3+s2], $0x80, v4, vm0, $0xb8;
	[tilespmem:$0x10100] =	vst v63  }
0x9b: {  	_ = 	snop  }
0x9c: {  	[tilespmem:s20], [sflag:$0x1] =	stream.indirect_vreg.gather [hbm4b:s3+s2], $0x80, v3, vm0, $0xb8;
	[tilespmem:$0x10100] =	vst v63  }
0x9d: {  	v3 =	vld [tilespmem:$0xC0];
	_ =	sdelay $0x4  }
0x9e: {  	v60 =	vshll.u32 v3, $0x1  }
0x9f: {  	v3 =	vand.u32 $0x7, v3;
	v4 =	vand.u32 $0xFFFFFFF0, v60  }
0xa0: {  	v3 =	vor.u32 v3, v4  }
0xa1: {  	v4 =	vperm.xlane v3, v0;
	_ =	sdelay $0x1  }
0xa2: {  	v3 =	vperm.xlane v3, v2;
	v4 =	vadd.s32 v1, v4;
	_ =	sdelay $0x1  }
0xa3: {  	v3 =	vadd.s32 v1, v3;
	_ =	sdelay $0x2  }
0xa4: {  	[tilespmem:s21], [sflag:$0x1] =	stream.indirect_vreg.gather [hbm4b:s3+s2], $0x80, v4, vm0, $0xb8;
	[tilespmem:$0x10100] =	vst v63  }
0xa5: {  	_ = 	snop  }
0xa6: {  	[tilespmem:s22], [sflag:$0x1] =	stream.indirect_vreg.gather [hbm4b:s3+s2], $0x80, v3, vm0, $0xb8;
	[tilespmem:$0x10100] =	vst v63  }
0xa7: {  	v3 =	vld [tilespmem:$0xD0];
	_ =	sdelay $0x4  }
0xa8: {  	v61 =	vshll.u32 v3, $0x1  }
0xa9: {  	v3 =	vand.u32 $0x7, v3;
	v4 =	vand.u32 $0xFFFFFFF0, v61  }
0xaa: {  	v3 =	vor.u32 v3, v4  }
0xab: {  	v4 =	vperm.xlane v3, v0;
	_ =	sdelay $0x1  }
0xac: {  	v3 =	vperm.xlane v3, v2;
	v4 =	vadd.s32 v1, v4;
	_ =	sdelay $0x1  }
0xad: {  	v3 =	vadd.s32 v1, v3;
	_ =	sdelay $0x2  }
0xae: {  	[tilespmem:s23], [sflag:$0x1] =	stream.indirect_vreg.gather [hbm4b:s3+s2], $0x80, v4, vm0, $0xb8;
	[tilespmem:$0x10100] =	vst v63  }
0xaf: {  	_ = 	snop  }
0xb0: {  	[tilespmem:s24], [sflag:$0x1] =	stream.indirect_vreg.gather [hbm4b:s3+s2], $0x80, v3, vm0, $0xb8;
	[tilespmem:$0x10100] =	vst v63  }
0xb1: {  	v3 =	vld [tilespmem:$0xE0];
	_ =	sdelay $0x4  }
0xb2: {  	v62 =	vshll.u32 v3, $0x1  }
0xb3: {  	v3 =	vand.u32 $0x7, v3;
	v4 =	vand.u32 $0xFFFFFFF0, v62  }
0xb4: {  	v3 =	vor.u32 v3, v4  }
0xb5: {  	v4 =	vperm.xlane v3, v0;
	_ =	sdelay $0x1  }
0xb6: {  	v3 =	vperm.xlane v3, v2;
	v4 =	vadd.s32 v1, v4;
	_ =	sdelay $0x1  }
0xb7: {  	v3 =	vadd.s32 v1, v3;
	_ =	sdelay $0x2  }
0xb8: {  	[tilespmem:s25], [sflag:$0x1] =	stream.indirect_vreg.gather [hbm4b:s3+s2], $0x80, v4, vm0, $0xb8;
	[tilespmem:$0x10100] =	vst v63  }
0xb9: {  	_ = 	snop  }
0xba: {  	[tilespmem:s26], [sflag:$0x1] =	stream.indirect_vreg.gather [hbm4b:s3+s2], $0x80, v3, vm0, $0xb8;
	[tilespmem:$0x10100] =	vst v63  }
0xbb: {  	v3 =	vld [tilespmem:$0xF0];
	_ =	sdelay $0x4  }
0xbc: {  	v63 =	vshll.u32 v3, $0x1  }
0xbd: {  	v3 =	vand.u32 $0x7, v3;
	v4 =	vand.u32 $0xFFFFFFF0, v63  }
0xbe: {  	v3 =	vor.u32 v3, v4  }
0xbf: {  	v4 =	vperm.xlane v3, v0;
	_ =	sdelay $0x1  }
0xc0: {  	v3 =	vperm.xlane v3, v2;
	v4 =	vadd.s32 v1, v4;
	_ =	sdelay $0x1  }
0xc1: {  	v3 =	vadd.s32 v1, v3;
	_ =	sdelay $0x2  }
0xc2: {  	[tilespmem:s28], [sflag:$0x1] =	stream.indirect_vreg.gather [hbm4b:s3+s2], $0x80, v4, vm0, $0xb8;
	[tilespmem:$0x10100] =	vst v63  }
0xc3: {  	_ = 	snop  }
0xc4: {  	[tilespmem:s29], [sflag:$0x1] =	stream.indirect_vreg.gather [hbm4b:s3+s2], $0x80, v3, vm0, $0xb8;
	[tilespmem:$0x10100] =	vst v63  }
0xc5: {  	_ =	swait.ge [sflag:s30], $0x10000  }
0xc6: {  	p0 =	sne.s32 s0, $0xE0;
	[sflag:s30] =	ssyncset.done $0x0  }
.Ltmp0:
0xc7: {  	[sflag:s30] =	ssyncadd.s32 $0xFFFF0000;
	(pc) =	sbr.rel @p0 .LBB2_2-.Ltmp0, $4  }
0xc8: {  	[hbm4b:s5+s2] =	stream.linear.scatter [tilespmem:s7], [sflag:$0x2], $0x10000, $0x38;
	[tilespmem:$0x10100] =	vst v63  }
0xc9: {  	_ =	swait.ge [sflag:s6], $0x10000  }
0xca: {  	[sflag:s6] =	ssyncset.done $0x0  }
0xcb: {  	s0 =	sadd.s32 $0x20, s0;
	s5 =	sadd.s32 $0x2000, s5;
	[sflag:s6] =	ssyncadd.s32 $0xFFFF0000  }
0xcc: {  	s31 =	sadd.s32 $0x1, s31;
	s0 =	rddreg [dreg:$0xd]  }
0xcd: {  	p0 =	sne.s32 s31, s0  }
.Ltmp1:
0xce: {  	_ = 	snop;
	(pc) =	sbr.rel @p0 .LBB2_1-.Ltmp1, $1  }
0xcf: {  	_ =	sdelay $0x3  }
0xd0: {  	_ =	sfence.sel $0x180000  }
0xd1: {  	[bflag:$0x0] =	sbarrier.arrive $0xFFFF  }
0xd2: {  	_ =	strace $0x9000004A  }
0xd3: {  	s0 =	stileid.u32;
	[bflag:$0x2] =	sbarrier.arrive $0xFFFF  }
0xd4: {  	p0 =	sne.s32 s0, $0x0;
	s0 =	rddreg [dreg:$0x1]  }
0xd5: {  	s0 =	sadd.s32 @!p0 $0x100000, s0  }
0xd6: {  	[sflag:s0] =	ssyncadd.tile.s32 @!p0 $0x1;
	_ =	shalt  }
.Lfunc_end2:
_tile_overlayer_lowered:
.L_overlay_start_2:
0xd7: {  	(tag) =	ssettag $0x2  }
0xd8: {  	s0 =	rddreg [dreg:$0x0];
	s2 =	stileid.u32  }
0xd9: {  	s1 =	rddreg [dreg:$0x1];
	p0 =	sne.s32 s2, $0x0  }
0xda: {  	s3 =	rddreg [dreg:$0x2];
	[bflag:$0x3] =	sbarrier.arrive $0xFFFF;
	s2 =	simm.s32 @!p0 $0x1C02  }
0xdb: {  	[timem:s3], [sflag:s2] =	dma.local @!p0 [hbm:s0], s1  }
0xdc: {  	s0 =	simm.s32 @!p0 $0x2  }
0xdd: {  	_ =	swait.ge @!p0 [sflag:s0], s1  }
0xde: {  	s1 =	ssub.s32 @!p0 $0x0, s1;
	[sflag:s0] =	ssyncset.done @!p0 $0x0  }
0xdf: {  	[sflag:s0] =	ssyncadd.s32 @!p0 s1  }
0xe0: {  	[bflag:$0x3] =	sbarrier.arrive $0xFFFF  }
0xe1: {  	_ =	shalt  }

// kernel: kernel.9.cloned.1.call-start
scs
__scs_entry_jumppad:
0x0: {  	(pc) =	sbr.rel $0x88, $3  }
0x1: {  	(tag) =	ssettag $0x0;
	lr =	simm.s32 $0x1  }
0x2: {  	[smem:$0x3F7D] =	sst lr;
	_ =	strace $0xD0000000  }
0x3: {  	_ = 	snop  }
0x4: {  	_ = 	snop  }
0x5: {  	_ = 	snop  }
0x6: {  	_ = 	snop  }
0x7: {  	_ = 	snop  }
__scs_overlays_trampoline_lowered:
0x8: {  	[smem:$0x3F8C] =	sst s0  }
0x9: {  	[smem:$0x3F8D] =	sst s1  }
0xa: {  	[smem:$0x3F8E] =	sst s2  }
0xb: {  	[smem:$0x3F8F] =	sst s3  }
0xc: {  	[smem:$0x3F90] =	sst s4  }
0xd: {  	[smem:$0x3F91] =	sst s5  }
0xe: {  	[smem:$0x3F92] =	sst s6  }
0xf: {  	[smem:$0x3F93] =	sst s7  }
0x10: {  	[smem:$0x3F94] =	sst s8  }
0x11: {  	[smem:$0x3F95] =	sst s9;
	s0 =	simm.s32 @!p0 $0x0  }
0x12: {  	s1 =	sld [smem:$0x3F7B];
	s0 =	simm.s32 @p0 $0x1  }
0x13: {  	[smem:$0x3F96] =	sst s0;
	s0 =	simm.s32 @!p1 $0x0  }
0x14: {  	s2 =	sld [smem:$0x3F7A];
	s0 =	simm.s32 @p1 $0x1  }
0x15: {  	[smem:$0x3F97] =	sst s0;
	s0 =	simm.s32 @!p2 $0x0  }
0x16: {  	s3 =	sld [smem:$0x3FDB];
	s0 =	simm.s32 @p2 $0x1  }
0x17: {  	s4 =	simm.s32 $0x1BF5;
	[smem:$0x3F99] =	sst s0  }
0x18: {  	s0 =	sld [smem:$0x3F7C];
	_ =	swait.ge [sflag:s4], $0x0  }
0x19: {  	s7 =	sld [smem:$0x3F7D]  }
0x1a: {  	s8 =	sadd.s32 $0xFFFFE003, lr  }
0x1b: {  	s9 =	sadd.s32 $0xFFFFFEF7, lr;
	s5 =	simm.s32 $0xFFFFFFFF;
	p2 =	slt.u32 s8, $0xFFFFF086  }
0x1c: {  	p1 =	slt.u32 s9, $0xF7A;
	s5 =	simm.s32 @!p2 $0x0  }
0x1d: {  	s5 =	simm.s32 @p1 $0x1;
	p0 =	seq.s32 s7, s2  }
0x1e: {  	s7 =	smul.u32 @!p0 $0xF7A, s2;
	p2 =	seq.s32 @!p0 s5, $0x0  }
0x1f: {  	s9 =	smul.u32 $0xF7A, s1;
	s8 =	simm.s32 @!p0 $0x1BF5;
	p2 =	por !p2, p0  }
0x20: {  	[sflag:s8] =	ssyncset.s32 @!p0 $0xFFFFF086;
	s6 =	sadd.s32 @!p0 s3, s7;
	s7 =	simm.s32 @!p0 $0x108  }
0x21: {  	s3 =	sadd.s32 s3, s9;
	s6 =	sadd.s32 @!p0 $0x88, s6;
	s7 =	simm.s32 @p2 $0x1082  }
0x22: {  	[simem:s7], [sflag:s8] =	dma.local @!p0 [hbm:s6], $0xF7A  }
0x23: {  	s9 =	sor.u32 $0xD0000000, s2;
	s6 =	simm.s32 $0x108;
	_ =	swait.ge @!p0 [sflag:s8], $0x0  }
0x24: {  	s3 =	sadd.s32 $0x88, s3;
	s6 =	simm.s32 @!p1 $0x1082;
	[sflag:s4] =	ssyncset.s32 $0xFFFFF086  }
0x25: {  	[simem:s6], [sflag:s4] =	dma.local [hbm:s3], $0xF7A  }
0x26: {  	[smem:$0x3F7D] =	sst s1;
	(tag) =	ssettag s2;
	_ =	strace s9  }
0x27: {  	s1 =	sld [smem:$0x3F8D]  }
0x28: {  	s2 =	sld [smem:$0x3F8E]  }
0x29: {  	s4 =	sld [smem:$0x3F90]  }
0x2a: {  	p0 =	seq.s32 s5, $0x0;
	s5 =	sld [smem:$0x3F91]  }
0x2b: {  	s6 =	sld [smem:$0x3F92]  }
0x2c: {  	s7 =	sld [smem:$0x3F93]  }
0x2d: {  	s3 =	simm.s32 $0x108;
	s8 =	sld [smem:$0x3F94]  }
0x2e: {  	s3 =	simm.s32 @!p0 $0x1082;
	s9 =	sld [smem:$0x3F95]  }
0x2f: {  	lr =	sadd.s32 s0, s3;
	s0 =	sld [smem:$0x3F8C]  }
0x30: {  	s3 =	sld [smem:$0x3F8F]  }
0x31: {  	[smem:$0x3F98] =	sst s10  }
0x32: {  	s10 =	sld [smem:$0x3F96];
	_ =	sdelay $0x3  }
0x33: {  	p0 =	seq.s32 s10, $0x1;
	s10 =	sld [smem:$0x3F98];
	_ =	sdelay $0x3  }
0x34: {  	[smem:$0x3F98] =	sst s10  }
0x35: {  	s10 =	sld [smem:$0x3F97];
	_ =	sdelay $0x3  }
0x36: {  	p1 =	seq.s32 s10, $0x1;
	s10 =	sld [smem:$0x3F98];
	_ =	sdelay $0x3  }
0x37: {  	[smem:$0x3F98] =	sst s10  }
0x38: {  	s10 =	sld [smem:$0x3F99]  }
0x39: {  	_ = 	snop;
	(pc) =	sbr.ind lr, $3  }
0x3a: {  	_ = 	snop  }
0x3b: {  	_ = 	snop  }
0x3c: {  	p2 =	seq.s32 s10, $0x1;
	s10 =	sld [smem:$0x3F98]  }
0x3d: {  	_ =	shalt  }
0x3e: {  	_ =	shalt  }
0x3f: {  	_ =	shalt  }
0x40: {  	_ =	shalt  }
0x41: {  	_ =	shalt  }
0x42: {  	_ =	shalt  }
0x43: {  	_ =	shalt  }
0x44: {  	_ =	shalt  }
0x45: {  	_ =	shalt  }
0x46: {  	_ =	shalt  }
0x47: {  	_ =	shalt  }
0x48: {  	_ =	shalt  }
0x49: {  	_ =	shalt  }
0x4a: {  	_ =	shalt  }
0x4b: {  	_ =	shalt  }
0x4c: {  	_ =	shalt  }
0x4d: {  	_ =	shalt  }
0x4e: {  	_ =	shalt  }
0x4f: {  	_ =	shalt  }
0x50: {  	_ =	shalt  }
0x51: {  	_ =	shalt  }
0x52: {  	_ =	shalt  }
0x53: {  	_ =	shalt  }
0x54: {  	_ =	shalt  }
0x55: {  	_ =	shalt  }
0x56: {  	_ =	shalt  }
0x57: {  	_ =	shalt  }
0x58: {  	_ =	shalt  }
0x59: {  	_ =	shalt  }
0x5a: {  	_ =	shalt  }
0x5b: {  	_ =	shalt  }
0x5c: {  	_ =	shalt  }
0x5d: {  	_ =	shalt  }
0x5e: {  	_ =	shalt  }
0x5f: {  	_ =	shalt  }
0x60: {  	_ =	shalt  }
0x61: {  	_ =	shalt  }
0x62: {  	_ =	shalt  }
0x63: {  	_ =	shalt  }
0x64: {  	_ =	shalt  }
0x65: {  	_ =	shalt  }
0x66: {  	_ =	shalt  }
0x67: {  	_ =	shalt  }
0x68: {  	_ =	shalt  }
0x69: {  	_ =	shalt  }
0x6a: {  	_ =	shalt  }
0x6b: {  	_ =	shalt  }
0x6c: {  	_ =	shalt  }
0x6d: {  	_ =	shalt  }
0x6e: {  	_ =	shalt  }
0x6f: {  	_ =	shalt  }
0x70: {  	_ =	shalt  }
0x71: {  	_ =	shalt  }
0x72: {  	_ =	shalt  }
0x73: {  	_ =	shalt  }
0x74: {  	_ =	shalt  }
0x75: {  	_ =	shalt  }
0x76: {  	_ =	shalt  }
0x77: {  	_ =	shalt  }
0x78: {  	_ =	shalt  }
0x79: {  	_ =	shalt  }
0x7a: {  	_ =	shalt  }
0x7b: {  	_ =	shalt  }
0x7c: {  	_ =	shalt  }
0x7d: {  	_ =	shalt  }
0x7e: {  	_ =	shalt  }
0x7f: {  	_ =	shalt  }
0x80: {  	_ =	shalt  }
0x81: {  	_ =	shalt  }
0x82: {  	_ =	shalt  }
0x83: {  	_ =	shalt  }
0x84: {  	_ =	shalt  }
0x85: {  	_ =	shalt  }
0x86: {  	_ =	shalt  }
0x87: {  	_ =	shalt  }
.Lfunc_end0:
.L_simem_size_0:
called_computation_lowered:
.L_overlay_start_0:
0x88: {  	s2 =	sld [smem:$0x3FD9]  }
0x89: {  	s3 =	sld [smem:$0x3FFE];
	_ =	sdelay $0x1  }
0x8a: {  	s1 =	srdreg.scid  }
0x8b: {  	s0 =	sand.u32 $0x1, s1  }
0x8c: {  	s16 =	sshll.u32 s0, $0xA;
	s2 =	sadd.s32 s3, s2  }
0x8d: {  	s2 =	sadd.s32 s2, s16  }
0x8e: {  	[smem:$0x3FA4] =	sst s2  }
0x8f: {  	_ = 	snop  }
0x90: {  	(tm) =	ssettm $0x1  }
0x91: {  	s17 =	sld [smem:$0x3FFB];
	_ =	sdelay $0x3  }
0x92: {  	_ =	strace s17  }
0x93: {  	s2 =	sld [smem:$0x3FFC];
	_ =	sdelay $0x3  }
0x94: {  	_ =	strace s2  }
0x95: {  	s2 =	sld [smem:$0x3FFD];
	_ =	sdelay $0x3  }
0x96: {  	_ =	strace s2  }
0x97: {  	_ =	strace $0x8FFFFFFF  }
0x98: {  	s18 =	sld [smem:$0x3FDB];
	_ =	sdelay $0x1  }
0x99: {  	s19 =	simm.s32 $_scs_section_size  }
0x9a: {  	s4 =	simm.s32 $_size__tile_overlayer_lowered;
	s5 =	simm.s32 $_tile_overlayer_lowered  }
0x9b: {  	s22 =	simm.s32 $0x1BFF;
	s21 =	sshll.u32 s5, $0x1;
	s2 =	sadd.s32 s19, s18  }
0x9c: {  	s6 =	simm.s32 $0x0;
	s20 =	sshll.u32 s4, $0x1;
	s4 =	sadd.s32 s21, s2  }
0x9d: {  	[timem:s6], [sflag:s22] =	dma.local [hbm:s4], s20  }
0x9e: {  	_ =	swait.ge [sflag:s22], s20  }
0x9f: {  	s3 =	ssub.s32 $0x0, s20;
	[sflag:s22] =	ssyncset.done $0x0  }
0xa0: {  	[sflag:s22] =	ssyncadd.s32 s3;
	_ =	sdelay $0x1  }
0xa1: {  	s23 =	simm.s32 $0x1B8B  }
0xa2: {  	_ =	swait.ge [sflag:s23], $0x1  }
0xa3: {  	[sflag:s23] =	ssyncset.done $0x0  }
0xa4: {  	s25 =	simm.s32 $0x1B8E;
	s24 =	sld [smem:$0x3FFE];
	[sflag:s23] =	ssyncadd.s32 $0xFFFFFFFF  }
0xa5: {  	s26 =	simm.s32 $execute0_lowered;
	[smem:$0x3FD2] =	sst s25  }
0xa6: {  	s4 =	sshll.u32 s26, $0x1;
	_ =	strace $0x80000046;
	[dreg:$0x1] =	wrdreg $0xFFFFFFFF  }
0xa7: {  	s28 =	simm.s32 $_size_execute0_lowered;
	s2 =	sadd.s32 s2, s4;
	[dreg:$0x0] =	wrdreg $0x0  }
0xa8: {  	s4 =	sshll.u32 s28, $0x1;
	[dreg:$0x2] =	wrdreg s2  }
0xa9: {  	[dreg:$0x3] =	wrdreg s4  }
0xaa: {  	[dreg:$0x4] =	wrdreg $0xC0  }
0xab: {  	_ =	task [dreg:s6], $0x5FFFF  }
0xac: {  	[dreg:$0x1] =	wrdreg $0xFFFFFFFF  }
0xad: {  	[dreg:$0x0] =	wrdreg $0x60  }
0xae: {  	[dreg:$0x2] =	wrdreg s24  }
0xaf: {  	[dreg:$0x3] =	wrdreg $0x9  }
0xb0: {  	_ =	task.clear_ibuf [dreg:s6], $0x4FFFF;
	_ =	strace $0x90000046  }
0xb1: {  	s29 =	simm.s32 $0x9;
	_ =	strace $0x80000048  }
0xb2: {  	_ =	swait.ge [sflag:s29], $0x1  }
0xb3: {  	[sflag:s29] =	ssyncadd.s32 $0xFFFFFFFF  }
0xb4: {  	_ =	strace $0x90000048  }
0xb5: {  	_ =	sfence  }
0xb6: {  	s30 =	sld [smem:$0x0];
	_ =	sdelay $0x2  }
0xb7: {  	s31 =	sshll.u32 s1, $0xD;
	s1 =	sshrl.u32 s1, $0x2  }
0xb8: {  	s3 =	sand.u32 $0x4000, s31;
	s1 =	sadd.s32 s1, s30  }
0xb9: {  	s0 =	sor.u32 s3, s0;
	s1 =	sshll.u32 s1, $0x11  }
0xba: {  	s0 =	sor.u32 s1, s0  }
0xbb: {  	s0 =	sadd.s32 $0x8F2B, s0  }
0xbc: {  	[sflag:s0] =	ssyncadd.remote.s32 $0x1  }
0xbd: {  	_ =	sfence.sel $0xFFFF  }
0xbe: {  	[dreg:$0x0] =	wrdreg $0xFFFFFFFF;
	(pc) =	sbr.abs _section_cstart, $3  }
0xbf: {  	[dreg:$0x1] =	wrdreg $0xFFFFFFFF  }
0xc0: {  	_ =	task.clear_ibuf [dreg:s6], $0x2FFFF;
	_ =	strace $0x9FFFFFFF  }
0xc1: {  	(tm) =	ssettm $0x7FFFFFFF  }
tec
execute0_lowered:
.L_overlay_start_1:
0x0: {  	(tag) =	ssettag $0x1  }
0x1: {  	s0 =	srdreg.scid;
	s5 =	stileid.u32  }
0x2: {  	s1 =	rddreg [dreg:$0x0];
	s2 =	simm.s32 $0x0;
	s15 =	simm.s32 $0x900  }
0x3: {  	s17 =	simm.s32 $0x1100;
	s18 =	simm.s32 $0x1900;
	s19 =	simm.s32 $0x2100  }
0x4: {  	s21 =	simm.s32 $0x2900;
	s22 =	simm.s32 $0x3100;
	s23 =	simm.s32 $0x3900  }
0x5: {  	s24 =	simm.s32 $0x4100;
	s25 =	simm.s32 $0x4900;
	[smem:$0x7FF] =	sst s2  }
0x6: {  	s7 =	simm.s32 $0x100;
	_ =	strace $0x80000047;
	[dreg:$0x3] =	wrdreg s15  }
0x7: {  	s26 =	simm.s32 $0x5100;
	s8 =	simm.s32 $0x5900;
	[dreg:$0x4] =	wrdreg s17  }
0x8: {  	s9 =	simm.s32 $0x6100;
	s10 =	simm.s32 $0x6900;
	[dreg:$0x5] =	wrdreg s18  }
0x9: {  	s11 =	simm.s32 $0x7100;
	s12 =	simm.s32 $0x7900;
	[dreg:$0x6] =	wrdreg s19  }
0xa: {  	s13 =	simm.s32 $0x8100;
	s28 =	simm.s32 $0xF100;
	[dreg:$0x7] =	wrdreg s21  }
0xb: {  	s29 =	simm.s32 $0xF900;
	s30 =	simm.s32 $0x1;
	[dreg:$0x8] =	wrdreg s22  }
0xc: {  	s31 =	simm.s32 $0x0;
	s0 =	sand.u32 $0x1, s0;
	[dreg:$0x9] =	wrdreg s23  }
0xd: {  	s3 =	sshll.u32 s5, $0xC;
	s5 =	sshll.u32 s5, $0x11;
	[dreg:$0xa] =	wrdreg s24  }
0xe: {  	s4 =	sshll.u32 s0, $0xB;
	s16 =	ssub.s32 $0x2, s0;
	[dreg:$0xb] =	wrdreg s25  }
0xf: {  	s0 =	sshll.u32 s0, $0x10;
	[dreg:$0xc] =	wrdreg s26;
	s15 =	simm.s32 $0x9100  }
0x10: {  	s17 =	simm.s32 $0xA100;
	s18 =	simm.s32 $0xA900;
	s19 =	simm.s32 $0xB100  }
0x11: {  	s21 =	simm.s32 $0xC100;
	s22 =	simm.s32 $0xC900;
	s23 =	simm.s32 $0xD100  }
0x12: {  	s24 =	simm.s32 $0xD900;
	s25 =	simm.s32 $0xE100;
	s3 =	sor.u32 s4, s3  }
0x13: {  	s26 =	simm.s32 $0xE900;
	s6 =	sshrl.u32 s16, $0x1;
	s3 =	sshrl.u32 s3, $0x3  }
0x14: {  	s14 =	sadd.s32 s3, s1;
	s3 =	sadd.s32 $0x4E00, s1;
	s1 =	sadd.s32 s5, s1  }
0x15: {  	s5 =	ssub.s32 s16, s6;
	s6 =	simm.s32 $0x2;
	s4 =	sadd.s32 $0x24E00, s14  }
0x16: {  	v2 =	vlaneseq.u32;
	s20 =	smax.u32 s5, $0x1;
	s0 =	sadd.s32 s0, s1;
	[dreg:$0x2] =	wrdreg s4  }
0x17: {  	vm0 =	vmmov $0xffff;
	v1 =	vshrl.u32 v2, $0x3;
	s16 =	simm.s32 $0x9900;
	[dreg:$0xd] =	wrdreg s20;
	s0 =	sadd.s32 $0x26E00, s0  }
0x18: {  	v0 =	vand.u32 $0x7, v2;
	v2 =	vor.u32 $0x8, v2;
	v1 =	vmul.u32 $0x8, v1;
	s14 =	simm.s32 $0x8900;
	s20 =	simm.s32 $0xB900;
	[dreg:$0xe] =	wrdreg s0  }
.LBB2_1:
0x19: {  	s5 =	rddreg [dreg:$0xe];
	s0 =	simm.s32 $0x0  }
.LBB2_2:
0x1a: {  	s4 =	rddreg [dreg:$0x2]  }
0x1b: {  	s4 =	sadd.s32 s0, s4  }
0x1c: {  	[tilespmem:s2], [sflag:$0x2] =	stream.linear.gather [hbm4b:s4+s2], $0x100, $0x38;
	[tilespmem:$0x10100] =	vst v63  }
0x1d: {  	_ =	swait.ge [sflag:s6], $0x100  }
0x1e: {  	[sflag:s6] =	ssyncset.done $0x0  }
0x1f: {  	[sflag:s6] =	ssyncadd.s32 $0xFFFFFF00  }
0x20: {  	v3 =	vld [tilespmem:$0x0];
	_ =	sdelay $0x4  }
0x21: {  	v4 =	vshll.u32 v3, $0x1  }
0x22: {  	v3 =	vand.u32 $0x7, v3;
	v4 =	vand.u32 $0xFFFFFFF0, v4  }
0x23: {  	v3 =	vor.u32 v3, v4  }
0x24: {  	v4 =	vperm.xlane v3, v0;
	_ =	sdelay $0x1  }
0x25: {  	v3 =	vperm.xlane v3, v2;
	v4 =	vadd.s32 v1, v4;
	_ =	sdelay $0x1  }
0x26: {  	v3 =	vadd.s32 v1, v3;
	_ =	sdelay $0x2  }
0x27: {  	[tilespmem:s7], [sflag:$0x1] =	stream.indirect_vreg.gather [hbm4b:s3+s2], $0x80, v4, vm0, $0xb8;
	[tilespmem:$0x10100] =	vst v63  }
0x28: {  	s1 =	rddreg [dreg:$0x3]  }
0x29: {  	[tilespmem:s1], [sflag:$0x1] =	stream.indirect_vreg.gather [hbm4b:s3+s2], $0x80, v3, vm0, $0xb8;
	[tilespmem:$0x10100] =	vst v63  }
0x2a: {  	v3 =	vld [tilespmem:$0x10];
	_ =	sdelay $0x4  }
0x2b: {  	v49 =	vshll.u32 v3, $0x1  }
0x2c: {  	v3 =	vand.u32 $0x7, v3;
	v4 =	vand.u32 $0xFFFFFFF0, v49  }
0x2d: {  	v3 =	vor.u32 v3, v4  }
0x2e: {  	v4 =	vperm.xlane v3, v0;
	_ =	sdelay $0x1  }
0x2f: {  	v3 =	vperm.xlane v3, v2;
	v4 =	vadd.s32 v1, v4;
	_ =	sdelay $0x1  }
0x30: {  	v3 =	vadd.s32 v1, v3;
	_ =	sdelay $0x1  }
0x31: {  	s4 =	rddreg [dreg:$0x4]  }
0x32: {  	[tilespmem:s4], [sflag:$0x1] =	stream.indirect_vreg.gather [hbm4b:s3+s2], $0x80, v4, vm0, $0xb8;
	[tilespmem:$0x10100] =	vst v63  }
0x33: {  	s1 =	rddreg [dreg:$0x5]  }
0x34: {  	[tilespmem:s1], [sflag:$0x1] =	stream.indirect_vreg.gather [hbm4b:s3+s2], $0x80, v3, vm0, $0xb8;
	[tilespmem:$0x10100] =	vst v63  }
0x35: {  	v3 =	vld [tilespmem:$0x20];
	_ =	sdelay $0x4  }
0x36: {  	v50 =	vshll.u32 v3, $0x1  }
0x37: {  	v3 =	vand.u32 $0x7, v3;
	v4 =	vand.u32 $0xFFFFFFF0, v50  }
0x38: {  	v3 =	vor.u32 v3, v4  }
0x39: {  	v4 =	vperm.xlane v3, v0;
	_ =	sdelay $0x1  }
0x3a: {  	v3 =	vperm.xlane v3, v2;
	v4 =	vadd.s32 v1, v4;
	_ =	sdelay $0x1  }
0x3b: {  	v3 =	vadd.s32 v1, v3;
	_ =	sdelay $0x1  }
0x3c: {  	s1 =	rddreg [dreg:$0x6]  }
0x3d: {  	[tilespmem:s1], [sflag:$0x1] =	stream.indirect_vreg.gather [hbm4b:s3+s2], $0x80, v4, vm0, $0xb8;
	[tilespmem:$0x10100] =	vst v63  }
0x3e: {  	s4 =	rddreg [dreg:$0x7]  }
0x3f: {  	[tilespmem:s4], [sflag:$0x1] =	stream.indirect_vreg.gather [hbm4b:s3+s2], $0x80, v3, vm0, $0xb8;
	[tilespmem:$0x10100] =	vst v63  }
0x40: {  	v3 =	vld [tilespmem:$0x30];
	_ =	sdelay $0x4  }
0x41: {  	v51 =	vshll.u32 v3, $0x1  }
0x42: {  	v3 =	vand.u32 $0x7, v3;
	v4 =	vand.u32 $0xFFFFFFF0, v51  }
0x43: {  	v3 =	vor.u32 v3, v4  }
0x44: {  	v4 =	vperm.xlane v3, v0;
	_ =	sdelay $0x1  }
0x45: {  	v3 =	vperm.xlane v3, v2;
	v4 =	vadd.s32 v1, v4;
	_ =	sdelay $0x1  }
0x46: {  	v3 =	vadd.s32 v1, v3;
	_ =	sdelay $0x1  }
0x47: {  	s1 =	rddreg [dreg:$0x8]  }
0x48: {  	[tilespmem:s1], [sflag:$0x1] =	stream.indirect_vreg.gather [hbm4b:s3+s2], $0x80, v4, vm0, $0xb8;
	[tilespmem:$0x10100] =	vst v63  }
0x49: {  	s4 =	rddreg [dreg:$0x9]  }
0x4a: {  	[tilespmem:s4], [sflag:$0x1] =	stream.indirect_vreg.gather [hbm4b:s3+s2], $0x80, v3, vm0, $0xb8;
	[tilespmem:$0x10100] =	vst v63  }
0x4b: {  	v3 =	vld [tilespmem:$0x40];
	_ =	sdelay $0x4  }
0x4c: {  	v52 =	vshll.u32 v3, $0x1  }
0x4d: {  	v3 =	vand.u32 $0x7, v3;
	v4 =	vand.u32 $0xFFFFFFF0, v52  }
0x4e: {  	v3 =	vor.u32 v3, v4  }
0x4f: {  	v4 =	vperm.xlane v3, v0;
	_ =	sdelay $0x1  }
0x50: {  	v3 =	vperm.xlane v3, v2;
	v4 =	vadd.s32 v1, v4;
	_ =	sdelay $0x1  }
0x51: {  	v3 =	vadd.s32 v1, v3;
	_ =	sdelay $0x1  }
0x52: {  	s1 =	rddreg [dreg:$0xa]  }
0x53: {  	[tilespmem:s1], [sflag:$0x1] =	stream.indirect_vreg.gather [hbm4b:s3+s2], $0x80, v4, vm0, $0xb8;
	[tilespmem:$0x10100] =	vst v63  }
0x54: {  	s4 =	rddreg [dreg:$0xb]  }
0x55: {  	[tilespmem:s4], [sflag:$0x1] =	stream.indirect_vreg.gather [hbm4b:s3+s2], $0x80, v3, vm0, $0xb8;
	[tilespmem:$0x10100] =	vst v63  }
0x56: {  	v3 =	vld [tilespmem:$0x50];
	_ =	sdelay $0x4  }
0x57: {  	v53 =	vshll.u32 v3, $0x1  }
0x58: {  	v3 =	vand.u32 $0x7, v3;
	v4 =	vand.u32 $0xFFFFFFF0, v53  }
0x59: {  	v3 =	vor.u32 v3, v4  }
0x5a: {  	v4 =	vperm.xlane v3, v0;
	_ =	sdelay $0x1  }
0x5b: {  	v3 =	vperm.xlane v3, v2;
	v4 =	vadd.s32 v1, v4;
	_ =	sdelay $0x1  }
0x5c: {  	v3 =	vadd.s32 v1, v3;
	_ =	sdelay $0x1  }
0x5d: {  	s4 =	rddreg [dreg:$0xc]  }
0x5e: {  	[tilespmem:s4], [sflag:$0x1] =	stream.indirect_vreg.gather [hbm4b:s3+s2], $0x80, v4, vm0, $0xb8;
	[tilespmem:$0x10100] =	vst v63  }
0x5f: {  	_ = 	snop  }
0x60: {  	[tilespmem:s8], [sflag:$0x1] =	stream.indirect_vreg.gather [hbm4b:s3+s2], $0x80, v3, vm0, $0xb8;
	[tilespmem:$0x10100] =	vst v63  }
0x61: {  	v3 =	vld [tilespmem:$0x60];
	_ =	sdelay $0x4  }
0x62: {  	v54 =	vshll.u32 v3, $0x1  }
0x63: {  	v3 =	vand.u32 $0x7, v3;
	v4 =	vand.u32 $0xFFFFFFF0, v54  }
0x64: {  	v3 =	vor.u32 v3, v4  }
0x65: {  	v4 =	vperm.xlane v3, v0;
	_ =	sdelay $0x1  }
0x66: {  	v3 =	vperm.xlane v3, v2;
	v4 =	vadd.s32 v1, v4;
	_ =	sdelay $0x1  }
0x67: {  	v3 =	vadd.s32 v1, v3;
	_ =	sdelay $0x2  }
0x68: {  	[tilespmem:s9], [sflag:$0x1] =	stream.indirect_vreg.gather [hbm4b:s3+s2], $0x80, v4, vm0, $0xb8;
	[tilespmem:$0x10100] =	vst v63  }
0x69: {  	_ = 	snop  }
0x6a: {  	[tilespmem:s10], [sflag:$0x1] =	stream.indirect_vreg.gather [hbm4b:s3+s2], $0x80, v3, vm0, $0xb8;
	[tilespmem:$0x10100] =	vst v63  }
0x6b: {  	v3 =	vld [tilespmem:$0x70];
	_ =	sdelay $0x4  }
0x6c: {  	v55 =	vshll.u32 v3, $0x1  }
0x6d: {  	v3 =	vand.u32 $0x7, v3;
	v4 =	vand.u32 $0xFFFFFFF0, v55  }
0x6e: {  	v3 =	vor.u32 v3, v4  }
0x6f: {  	v4 =	vperm.xlane v3, v0;
	_ =	sdelay $0x1  }
0x70: {  	v3 =	vperm.xlane v3, v2;
	v4 =	vadd.s32 v1, v4;
	_ =	sdelay $0x1  }
0x71: {  	v3 =	vadd.s32 v1, v3;
	_ =	sdelay $0x2  }
0x72: {  	[tilespmem:s11], [sflag:$0x1] =	stream.indirect_vreg.gather [hbm4b:s3+s2], $0x80, v4, vm0, $0xb8;
	[tilespmem:$0x10100] =	vst v63  }
0x73: {  	_ = 	snop  }
0x74: {  	[tilespmem:s12], [sflag:$0x1] =	stream.indirect_vreg.gather [hbm4b:s3+s2], $0x80, v3, vm0, $0xb8;
	[tilespmem:$0x10100] =	vst v63  }
0x75: {  	v3 =	vld [tilespmem:$0x80];
	_ =	sdelay $0x4  }
0x76: {  	v56 =	vshll.u32 v3, $0x1  }
0x77: {  	v3 =	vand.u32 $0x7, v3;
	v4 =	vand.u32 $0xFFFFFFF0, v56  }
0x78: {  	v3 =	vor.u32 v3, v4  }
0x79: {  	v4 =	vperm.xlane v3, v0;
	_ =	sdelay $0x1  }
0x7a: {  	v3 =	vperm.xlane v3, v2;
	v4 =	vadd.s32 v1, v4;
	_ =	sdelay $0x1  }
0x7b: {  	v3 =	vadd.s32 v1, v3;
	_ =	sdelay $0x2  }
0x7c: {  	[tilespmem:s13], [sflag:$0x1] =	stream.indirect_vreg.gather [hbm4b:s3+s2], $0x80, v4, vm0, $0xb8;
	[tilespmem:$0x10100] =	vst v63  }
0x7d: {  	_ = 	snop  }
0x7e: {  	[tilespmem:s14], [sflag:$0x1] =	stream.indirect_vreg.gather [hbm4b:s3+s2], $0x80, v3, vm0, $0xb8;
	[tilespmem:$0x10100] =	vst v63  }
0x7f: {  	v3 =	vld [tilespmem:$0x90];
	_ =	sdelay $0x4  }
0x80: {  	v57 =	vshll.u32 v3, $0x1  }
0x81: {  	v3 =	vand.u32 $0x7, v3;
	v4 =	vand.u32 $0xFFFFFFF0, v57  }
0x82: {  	v3 =	vor.u32 v3, v4  }
0x83: {  	v4 =	vperm.xlane v3, v0;
	_ =	sdelay $0x1  }
0x84: {  	v3 =	vperm.xlane v3, v2;
	v4 =	vadd.s32 v1, v4;
	_ =	sdelay $0x1  }
0x85: {  	v3 =	vadd.s32 v1, v3;
	_ =	sdelay $0x2  }
0x86: {  	[tilespmem:s15], [sflag:$0x1] =	stream.indirect_vreg.gather [hbm4b:s3+s2], $0x80, v4, vm0, $0xb8;
	[tilespmem:$0x10100] =	vst v63  }
0x87: {  	_ = 	snop  }
0x88: {  	[tilespmem:s16], [sflag:$0x1] =	stream.indirect_vreg.gather [hbm4b:s3+s2], $0x80, v3, vm0, $0xb8;
	[tilespmem:$0x10100] =	vst v63  }
0x89: {  	v3 =	vld [tilespmem:$0xA0];
	_ =	sdelay $0x4  }
0x8a: {  	v58 =	vshll.u32 v3, $0x1  }
0x8b: {  	v3 =	vand.u32 $0x7, v3;
	v4 =	vand.u32 $0xFFFFFFF0, v58  }
0x8c: {  	v3 =	vor.u32 v3, v4  }
0x8d: {  	v4 =	vperm.xlane v3, v0;
	_ =	sdelay $0x1  }
0x8e: {  	v3 =	vperm.xlane v3, v2;
	v4 =	vadd.s32 v1, v4;
	_ =	sdelay $0x1  }
0x8f: {  	v3 =	vadd.s32 v1, v3;
	_ =	sdelay $0x2  }
0x90: {  	[tilespmem:s17], [sflag:$0x1] =	stream.indirect_vreg.gather [hbm4b:s3+s2], $0x80, v4, vm0, $0xb8;
	[tilespmem:$0x10100] =	vst v63  }
0x91: {  	_ = 	snop  }
0x92: {  	[tilespmem:s18], [sflag:$0x1] =	stream.indirect_vreg.gather [hbm4b:s3+s2], $0x80, v3, vm0, $0xb8;
	[tilespmem:$0x10100] =	vst v63  }
0x93: {  	v3 =	vld [tilespmem:$0xB0];
	_ =	sdelay $0x4  }
0x94: {  	v59 =	vshll.u32 v3, $0x1  }
0x95: {  	v3 =	vand.u32 $0x7, v3;
	v4 =	vand.u32 $0xFFFFFFF0, v59  }
0x96: {  	v3 =	vor.u32 v3, v4  }
0x97: {  	v4 =	vperm.xlane v3, v0;
	_ =	sdelay $0x1  }
0x98: {  	v3 =	vperm.xlane v3, v2;
	v4 =	vadd.s32 v1, v4;
	_ =	sdelay $0x1  }
0x99: {  	v3 =	vadd.s32 v1, v3;
	_ =	sdelay $0x2  }
0x9a: {  	[tilespmem:s19], [sflag:$0x1] =	stream.indirect_vreg.gather [hbm4b:s3+s2], $0x80, v4, vm0, $0xb8;
	[tilespmem:$0x10100] =	vst v63  }
0x9b: {  	_ = 	snop  }
0x9c: {  	[tilespmem:s20], [sflag:$0x1] =	stream.indirect_vreg.gather [hbm4b:s3+s2], $0x80, v3, vm0, $0xb8;
	[tilespmem:$0x10100] =	vst v63  }
0x9d: {  	v3 =	vld [tilespmem:$0xC0];
	_ =	sdelay $0x4  }
0x9e: {  	v60 =	vshll.u32 v3, $0x1  }
0x9f: {  	v3 =	vand.u32 $0x7, v3;
	v4 =	vand.u32 $0xFFFFFFF0, v60  }
0xa0: {  	v3 =	vor.u32 v3, v4  }
0xa1: {  	v4 =	vperm.xlane v3, v0;
	_ =	sdelay $0x1  }
0xa2: {  	v3 =	vperm.xlane v3, v2;
	v4 =	vadd.s32 v1, v4;
	_ =	sdelay $0x1  }
0xa3: {  	v3 =	vadd.s32 v1, v3;
	_ =	sdelay $0x2  }
0xa4: {  	[tilespmem:s21], [sflag:$0x1] =	stream.indirect_vreg.gather [hbm4b:s3+s2], $0x80, v4, vm0, $0xb8;
	[tilespmem:$0x10100] =	vst v63  }
0xa5: {  	_ = 	snop  }
0xa6: {  	[tilespmem:s22], [sflag:$0x1] =	stream.indirect_vreg.gather [hbm4b:s3+s2], $0x80, v3, vm0, $0xb8;
	[tilespmem:$0x10100] =	vst v63  }
0xa7: {  	v3 =	vld [tilespmem:$0xD0];
	_ =	sdelay $0x4  }
0xa8: {  	v61 =	vshll.u32 v3, $0x1  }
0xa9: {  	v3 =	vand.u32 $0x7, v3;
	v4 =	vand.u32 $0xFFFFFFF0, v61  }
0xaa: {  	v3 =	vor.u32 v3, v4  }
0xab: {  	v4 =	vperm.xlane v3, v0;
	_ =	sdelay $0x1  }
0xac: {  	v3 =	vperm.xlane v3, v2;
	v4 =	vadd.s32 v1, v4;
	_ =	sdelay $0x1  }
0xad: {  	v3 =	vadd.s32 v1, v3;
	_ =	sdelay $0x2  }
0xae: {  	[tilespmem:s23], [sflag:$0x1] =	stream.indirect_vreg.gather [hbm4b:s3+s2], $0x80, v4, vm0, $0xb8;
	[tilespmem:$0x10100] =	vst v63  }
0xaf: {  	_ = 	snop  }
0xb0: {  	[tilespmem:s24], [sflag:$0x1] =	stream.indirect_vreg.gather [hbm4b:s3+s2], $0x80, v3, vm0, $0xb8;
	[tilespmem:$0x10100] =	vst v63  }
0xb1: {  	v3 =	vld [tilespmem:$0xE0];
	_ =	sdelay $0x4  }
0xb2: {  	v62 =	vshll.u32 v3, $0x1  }
0xb3: {  	v3 =	vand.u32 $0x7, v3;
	v4 =	vand.u32 $0xFFFFFFF0, v62  }
0xb4: {  	v3 =	vor.u32 v3, v4  }
0xb5: {  	v4 =	vperm.xlane v3, v0;
	_ =	sdelay $0x1  }
0xb6: {  	v3 =	vperm.xlane v3, v2;
	v4 =	vadd.s32 v1, v4;
	_ =	sdelay $0x1  }
0xb7: {  	v3 =	vadd.s32 v1, v3;
	_ =	sdelay $0x2  }
0xb8: {  	[tilespmem:s25], [sflag:$0x1] =	stream.indirect_vreg.gather [hbm4b:s3+s2], $0x80, v4, vm0, $0xb8;
	[tilespmem:$0x10100] =	vst v63  }
0xb9: {  	_ = 	snop  }
0xba: {  	[tilespmem:s26], [sflag:$0x1] =	stream.indirect_vreg.gather [hbm4b:s3+s2], $0x80, v3, vm0, $0xb8;
	[tilespmem:$0x10100] =	vst v63  }
0xbb: {  	v3 =	vld [tilespmem:$0xF0];
	_ =	sdelay $0x4  }
0xbc: {  	v63 =	vshll.u32 v3, $0x1  }
0xbd: {  	v3 =	vand.u32 $0x7, v3;
	v4 =	vand.u32 $0xFFFFFFF0, v63  }
0xbe: {  	v3 =	vor.u32 v3, v4  }
0xbf: {  	v4 =	vperm.xlane v3, v0;
	_ =	sdelay $0x1  }
0xc0: {  	v3 =	vperm.xlane v3, v2;
	v4 =	vadd.s32 v1, v4;
	_ =	sdelay $0x1  }
0xc1: {  	v3 =	vadd.s32 v1, v3;
	_ =	sdelay $0x2  }
0xc2: {  	[tilespmem:s28], [sflag:$0x1] =	stream.indirect_vreg.gather [hbm4b:s3+s2], $0x80, v4, vm0, $0xb8;
	[tilespmem:$0x10100] =	vst v63  }
0xc3: {  	_ = 	snop  }
0xc4: {  	[tilespmem:s29], [sflag:$0x1] =	stream.indirect_vreg.gather [hbm4b:s3+s2], $0x80, v3, vm0, $0xb8;
	[tilespmem:$0x10100] =	vst v63  }
0xc5: {  	_ =	swait.ge [sflag:s30], $0x10000  }
0xc6: {  	p0 =	sne.s32 s0, $0xE0;
	[sflag:s30] =	ssyncset.done $0x0  }
.Ltmp0:
0xc7: {  	[sflag:s30] =	ssyncadd.s32 $0xFFFF0000;
	(pc) =	sbr.rel @p0 .LBB2_2-.Ltmp0, $4  }
0xc8: {  	[hbm4b:s5+s2] =	stream.linear.scatter [tilespmem:s7], [sflag:$0x2], $0x10000, $0x38;
	[tilespmem:$0x10100] =	vst v63  }
0xc9: {  	_ =	swait.ge [sflag:s6], $0x10000  }
0xca: {  	[sflag:s6] =	ssyncset.done $0x0  }
0xcb: {  	s0 =	sadd.s32 $0x20, s0;
	s5 =	sadd.s32 $0x2000, s5;
	[sflag:s6] =	ssyncadd.s32 $0xFFFF0000  }
0xcc: {  	s31 =	sadd.s32 $0x1, s31;
	s0 =	rddreg [dreg:$0xd]  }
0xcd: {  	p0 =	sne.s32 s31, s0  }
.Ltmp1:
0xce: {  	_ = 	snop;
	(pc) =	sbr.rel @p0 .LBB2_1-.Ltmp1, $1  }
0xcf: {  	_ =	sdelay $0x3  }
0xd0: {  	_ =	sfence.sel $0x180000  }
0xd1: {  	[bflag:$0x0] =	sbarrier.arrive $0xFFFF  }
0xd2: {  	_ =	strace $0x90000047  }
0xd3: {  	s0 =	stileid.u32;
	[bflag:$0x2] =	sbarrier.arrive $0xFFFF  }
0xd4: {  	p0 =	sne.s32 s0, $0x0;
	s0 =	rddreg [dreg:$0x1]  }
0xd5: {  	s0 =	sadd.s32 @!p0 $0x100000, s0  }
0xd6: {  	[sflag:s0] =	ssyncadd.tile.s32 @!p0 $0x1;
	_ =	shalt  }
.Lfunc_end2:
_tile_overlayer_lowered:
.L_overlay_start_2:
0xd7: {  	(tag) =	ssettag $0x2  }
0xd8: {  	s0 =	rddreg [dreg:$0x0];
	s2 =	stileid.u32  }
0xd9: {  	s1 =	rddreg [dreg:$0x1];
	p0 =	sne.s32 s2, $0x0  }
0xda: {  	s3 =	rddreg [dreg:$0x2];
	[bflag:$0x3] =	sbarrier.arrive $0xFFFF;
	s2 =	simm.s32 @!p0 $0x1C02  }
0xdb: {  	[timem:s3], [sflag:s2] =	dma.local @!p0 [hbm:s0], s1  }
0xdc: {  	s0 =	simm.s32 @!p0 $0x2  }
0xdd: {  	_ =	swait.ge @!p0 [sflag:s0], s1  }
0xde: {  	s1 =	ssub.s32 @!p0 $0x0, s1;
	[sflag:s0] =	ssyncset.done @!p0 $0x0  }
0xdf: {  	[sflag:s0] =	ssyncadd.s32 @!p0 s1  }
0xe0: {  	[bflag:$0x3] =	sbarrier.arrive $0xFFFF  }
0xe1: {  	_ =	shalt  }

</sc_bundles>
